<compile_context>
chip_gen: v7x
topology: tpu7x:2x2x1
jax: 0.10.2.dev20260603
libtpu: 0.0.44.dev20260713+nightly
codegen_flags: <defaults>
</compile_context>

<pallas_src>
import jax
import jax.numpy as jnp
from jax import lax
from jax.experimental import pallas as pl
from jax.experimental.pallas import tpu as pltpu
from jax.experimental.pallas import tpu_sc as plsc

VOCAB_SIZE = 100000
EMBED_DIM = 64
MAX_LEN = 200
BATCH = 4096
SEQ_LEN = 200

NUM_WORKERS = 32
SEQ_PER_SLOT = 2
SLOT_ROWS = SEQ_PER_SLOT * SEQ_LEN
NSLOT = BATCH // (NUM_WORKERS * SEQ_PER_SLOT)
HALF = SEQ_LEN // 2
NSTR = SLOT_ROWS // HALF
NB = 3
MAIN = (NSLOT // NB) * NB


def _emb_body(x_hbm, tok_hbm, pos_hbm, out_hbm, pos_sh, idx_v,
              b0, b1, b2,
              g0, g1, g2, s0, s1, s2, p0, p1, p2):
    c = lax.axis_index("c")
    s = lax.axis_index("s")
    wid = s * 2 + c
    row0 = wid * NSLOT * SLOT_ROWS

    bufs = (b0, b1, b2)
    gsems = (g0, g1, g2)
    ssems = (s0, s1, s2)
    psems = (p0, p1, p2)

    @pl.when(s == 0)
    def _():
        pltpu.sync_copy(pos_hbm, pos_sh.at[pl.ds(0, SEQ_LEN)])
        pltpu.sync_copy(pos_hbm, pos_sh.at[pl.ds(SEQ_LEN, SEQ_LEN)])

    plsc.subcore_barrier()

    def prefill(p):
        pltpu.async_copy(pos_sh, bufs[p], psems[p])

    def wait_prefill(p):
        pltpu.make_async_copy(pos_sh, bufs[p], psems[p]).wait()

    def gather_add(g, p):
        for j in range(NSTR):
            pltpu.async_copy(tok_hbm.at[idx_v.at[g, j]],
                             bufs[p].at[pl.ds(j * HALF, HALF)],
                             gsems[p], add=True)

    def wait_gather(g, p):
        for j in range(NSTR):
            pltpu.make_async_copy(tok_hbm.at[idx_v.at[g, j]],
                                  bufs[p].at[pl.ds(j * HALF, HALF)],
                                  gsems[p]).wait()

    def store(g, p):
        pltpu.async_copy(
            bufs[p], out_hbm.at[pl.ds(row0 + g * SLOT_ROWS, SLOT_ROWS)],
            ssems[p])

    def wait_store(g, p):
        pltpu.make_async_copy(
            bufs[p], out_hbm.at[pl.ds(row0 + g * SLOT_ROWS, SLOT_ROWS)],
            ssems[p]).wait()

    pltpu.sync_copy(x_hbm.at[pl.ds(wid * NSLOT, NSLOT)], idx_v)
    prefill(0)
    prefill(1)
    wait_prefill(0)
    gather_add(0, 0)

    def slot(g, p, static=False):
        q = (p + 2) % NB

        def _drain():
            wait_store(g - 1, q)

        def _refill():
            prefill(q)

        def _launch():
            r = (p + 1) % NB
            wait_prefill(r)
            gather_add(g + 1, r)

        if static:
            if g >= 1:
                _drain()
            if g + 2 < NSLOT:
                _refill()
            if g + 1 < NSLOT:
                _launch()
        else:
            pl.when(g >= 1)(_drain)
            pl.when(g + 2 < NSLOT)(_refill)
            pl.when(g + 1 < NSLOT)(_launch)
        wait_gather(g, p)
        store(g, p)

    def step(t, carry):
        for k in range(NB):
            slot(NB * t + k, k)
        return carry

    lax.fori_loop(0, MAIN // NB, step, 0)

    for g in range(MAIN, NSLOT):
        slot(g, g % NB, static=True)

    wait_store(NSLOT - 1, (NSLOT - 1) % NB)


@jax.jit
def kernel(x, token_table, pos_table):
    x3 = x.astype(jnp.int32).reshape(BATCH // SEQ_PER_SLOT, NSTR, HALF)
    mesh = plsc.VectorSubcoreMesh(core_axis_name="c", subcore_axis_name="s")
    out_flat = pl.kernel(
        _emb_body,
        out_type=jax.ShapeDtypeStruct((BATCH * SEQ_LEN, EMBED_DIM),
                                      jnp.float32),
        mesh=mesh,
        scratch_types=[
            pltpu.VMEM_SHARED((SLOT_ROWS, EMBED_DIM), jnp.float32),
            pltpu.VMEM((NSLOT, NSTR, HALF), jnp.int32),
        ] + [pltpu.VMEM((SLOT_ROWS, EMBED_DIM), jnp.float32)] * NB
          + [pltpu.SemaphoreType.DMA] * (3 * NB),
        compiler_params=pltpu.CompilerParams(use_tc_tiling_on_sc=False),
    )(x3, token_table, pos_table)
    return out_flat.reshape(BATCH, SEQ_LEN, EMBED_DIM)

# --- scband reference (transcript-rebuilt; emitter-appended) ---
"""Pipeline reference for scband-positional-embedding-8297876816279 (READ-ONLY COPY).

The authoritative reference and input builder live on the scoring server;
editing this copy changes nothing except your own understanding.
"""

import jax, jax.numpy as jnp
import numpy as np

VOCAB_SIZE = 100000
EMBED_DIM = 64
MAX_LEN = 200
BATCH = 4096
SEQ_LEN = 200


def setup_inputs(seed: int = 0) -> dict:
    key = jax.random.key(seed)
    k_x, k_tok, k_pos = jax.random.split(key, 3)
    x = jax.random.randint(k_x, (BATCH, SEQ_LEN), 0, VOCAB_SIZE, dtype=jnp.int64 if jax.config.jax_enable_x64 else jnp.int32)
    # token embedding table: in the original module (no embedding_matrix given)
    # it is initialized to zeros and frozen; use random values so output is nontrivial
    # but keep semantics of a fixed lookup table.
    token_table = jax.random.normal(k_tok, (VOCAB_SIZE, EMBED_DIM), dtype=jnp.float32) * 0.02
    pos_table = jax.random.normal(k_pos, (MAX_LEN, EMBED_DIM), dtype=jnp.float32) * 0.02
    return {"x": x, "token_table": token_table, "pos_table": pos_table}


def reference(x, token_table, pos_table):
    maxlen = x.shape[1]
    positions = jnp.arange(0, maxlen, 1)
    pos_emb = jnp.take(pos_table, positions, axis=0)          # [S, D]
    tok_emb = jnp.take(token_table, x, axis=0)                 # [B, S, D]
    return tok_emb + pos_emb[None, :, :]

if __name__ == "__main__":
    import jax
    _d = setup_inputs()
    print(jax.jit(kernel)(*tuple(_d.values())))

</pallas_src>

<mosaic_0001>
#map = affine_map<(d0, d1) -> (0, 0, 0)>
#map1 = affine_map<(d0, d1) -> (0, 0)>
module attributes {stable_mosaic.version = 14 : i64} {
  func.func @_emb_body(%arg0: i32, %arg1: i32, %arg2: memref<2048x4x100xi32, #tpu.memory_space<hbm>>, %arg3: memref<100000x64xf32, #tpu.memory_space<hbm>>, %arg4: memref<200x64xf32, #tpu.memory_space<hbm>>, %arg5: memref<819200x64xf32, #tpu.memory_space<hbm>>, %arg6: memref<400x64xf32, #tpu.memory_space<vmem_shared>>, %arg7: memref<64x4x100xi32, #tpu.memory_space<vmem>>, %arg8: memref<400x64xf32, #tpu.memory_space<vmem>>, %arg9: memref<400x64xf32, #tpu.memory_space<vmem>>, %arg10: memref<400x64xf32, #tpu.memory_space<vmem>>, %arg11: memref<!tpu.dma_semaphore, #tpu.memory_space<semaphore_mem>>, %arg12: memref<!tpu.dma_semaphore, #tpu.memory_space<semaphore_mem>>, %arg13: memref<!tpu.dma_semaphore, #tpu.memory_space<semaphore_mem>>, %arg14: memref<!tpu.dma_semaphore, #tpu.memory_space<semaphore_mem>>, %arg15: memref<!tpu.dma_semaphore, #tpu.memory_space<semaphore_mem>>, %arg16: memref<!tpu.dma_semaphore, #tpu.memory_space<semaphore_mem>>, %arg17: memref<!tpu.dma_semaphore, #tpu.memory_space<semaphore_mem>>, %arg18: memref<!tpu.dma_semaphore, #tpu.memory_space<semaphore_mem>>, %arg19: memref<!tpu.dma_semaphore, #tpu.memory_space<semaphore_mem>>) attributes {dimension_semantics = [#tpu.dimension_semantics<core_parallel>, #tpu.dimension_semantics<subcore_parallel>], iteration_bounds = array<i64: 2, 16>, scalar_prefetch = 0 : i64, scratch_operands = 14 : i64, tpu.core_type = #tpu.core_type<sc_vector_subcore>, window_params = [{transform_indices = #map}, {transform_indices = #map1}, {transform_indices = #map1}, {transform_indices = #map1}]} {
    %mul3A = arith.constant 2 : i32
    %mul3A_0 = arith.muli %arg1, %mul3A : i32
    %add3A = arith.addi %mul3A_0, %arg0 : i32
    %mul3A_1 = arith.constant 64 : i32
    %mul3A_2 = arith.muli %add3A, %mul3A_1 : i32
    %mul3A_3 = arith.constant 400 : i32
    %mul3A_4 = arith.muli %mul3A_2, %mul3A_3 : i32
    %eq3A = arith.constant 0 : i32
    %eq3A_5 = arith.cmpi eq, %arg1, %eq3A : i32
    %convert_element_type3A = arith.extui %eq3A_5 : i1 to i32
    %cond3A = arith.constant 0 : i32
    %cond3A_6 = arith.cmpi ne, %convert_element_type3A, %cond3A : i32
    scf.if %cond3A_6 {
      "tpu.region"() ({
        %run_scoped3A = tpu.sem_alloc : memref<!tpu.dma_semaphore, #tpu.memory_space<semaphore_mem>>
        %dma_start3A_118 = arith.constant 0 : i32
        %dma_start3A_119 = arith.constant 0 : i32
        %dma_start3A_120 = tpu.memref_slice %arg6[%dma_start3A_118, %dma_start3A_119] : memref<400x64xf32, #tpu.memory_space<vmem_shared>> -> memref<200x64xf32, #tpu.memory_space<vmem_shared>>
        tpu.enqueue_dma source(%arg4 : memref<200x64xf32, #tpu.memory_space<hbm>>) target(%dma_start3A_120 : memref<200x64xf32, #tpu.memory_space<vmem_shared>>) target_semaphore(%run_scoped3A : memref<!tpu.dma_semaphore, #tpu.memory_space<semaphore_mem>>)
        %dma_wait3A_121 = arith.constant 0 : i32
        %dma_wait3A_122 = arith.constant 0 : i32
        %dma_wait3A_123 = tpu.memref_slice %arg6[%dma_wait3A_121, %dma_wait3A_122] : memref<400x64xf32, #tpu.memory_space<vmem_shared>> -> memref<200x64xf32, #tpu.memory_space<vmem_shared>>
        tpu.wait_dma2 semaphore(%run_scoped3A : memref<!tpu.dma_semaphore, #tpu.memory_space<semaphore_mem>>) src(%arg4 : memref<200x64xf32, #tpu.memory_space<hbm>>) dst(%dma_wait3A_123 : memref<200x64xf32, #tpu.memory_space<vmem_shared>>)
        tpu.yield
      }) : () -> ()
      "tpu.region"() ({
        %run_scoped3A = tpu.sem_alloc : memref<!tpu.dma_semaphore, #tpu.memory_space<semaphore_mem>>
        %dma_start3A_118 = arith.constant 200 : i32
        %dma_start3A_119 = arith.constant 0 : i32
        %dma_start3A_120 = tpu.memref_slice %arg6[%dma_start3A_118, %dma_start3A_119] : memref<400x64xf32, #tpu.memory_space<vmem_shared>> -> memref<200x64xf32, #tpu.memory_space<vmem_shared>>
        tpu.enqueue_dma source(%arg4 : memref<200x64xf32, #tpu.memory_space<hbm>>) target(%dma_start3A_120 : memref<200x64xf32, #tpu.memory_space<vmem_shared>>) target_semaphore(%run_scoped3A : memref<!tpu.dma_semaphore, #tpu.memory_space<semaphore_mem>>)
        %dma_wait3A_121 = arith.constant 200 : i32
        %dma_wait3A_122 = arith.constant 0 : i32
        %dma_wait3A_123 = tpu.memref_slice %arg6[%dma_wait3A_121, %dma_wait3A_122] : memref<400x64xf32, #tpu.memory_space<vmem_shared>> -> memref<200x64xf32, #tpu.memory_space<vmem_shared>>
        tpu.wait_dma2 semaphore(%run_scoped3A : memref<!tpu.dma_semaphore, #tpu.memory_space<semaphore_mem>>) src(%arg4 : memref<200x64xf32, #tpu.memory_space<hbm>>) dst(%dma_wait3A_123 : memref<200x64xf32, #tpu.memory_space<vmem_shared>>)
        tpu.yield
      }) : () -> ()
    } else {
    }
    %barrier3A = arith.constant 0 : index
    tpu.barrier barrier_id(%barrier3A)
    %mul3A_7 = arith.constant 64 : i32
    %mul3A_8 = arith.muli %add3A, %mul3A_7 : i32
    "tpu.region"() ({
      %run_scoped3A = tpu.sem_alloc : memref<!tpu.dma_semaphore, #tpu.memory_space<semaphore_mem>>
      %dma_start3A_118 = arith.constant 0 : i32
      %dma_start3A_119 = arith.constant 0 : i32
      %dma_start3A_120 = tpu.memref_slice %arg2[%mul3A_8, %dma_start3A_118, %dma_start3A_119] : memref<2048x4x100xi32, #tpu.memory_space<hbm>> -> memref<64x4x100xi32, #tpu.memory_space<hbm>>
      %dma_start3A_121 = arith.constant 0 : i32
      %dma_start3A_122 = arith.constant 0 : i32
      %dma_start3A_123 = tpu.memref_slice %arg2[%mul3A_8, %dma_start3A_121, %dma_start3A_122] : memref<2048x4x100xi32, #tpu.memory_space<hbm>> -> memref<64x4x100xi32, #tpu.memory_space<hbm>>
      tpu.enqueue_dma source(%dma_start3A_123 : memref<64x4x100xi32, #tpu.memory_space<hbm>>) target(%arg7 : memref<64x4x100xi32, #tpu.memory_space<vmem>>) target_semaphore(%run_scoped3A : memref<!tpu.dma_semaphore, #tpu.memory_space<semaphore_mem>>)
      %dma_wait3A_124 = arith.constant 0 : i32
      %dma_wait3A_125 = arith.constant 0 : i32
      %dma_wait3A_126 = tpu.memref_slice %arg2[%mul3A_8, %dma_wait3A_124, %dma_wait3A_125] : memref<2048x4x100xi32, #tpu.memory_space<hbm>> -> memref<64x4x100xi32, #tpu.memory_space<hbm>>
      %dma_wait3A_127 = arith.constant 0 : i32
      %dma_wait3A_128 = arith.constant 0 : i32
      %dma_wait3A_129 = tpu.memref_slice %arg2[%mul3A_8, %dma_wait3A_127, %dma_wait3A_128] : memref<2048x4x100xi32, #tpu.memory_space<hbm>> -> memref<64x4x100xi32, #tpu.memory_space<hbm>>
      tpu.wait_dma2 semaphore(%run_scoped3A : memref<!tpu.dma_semaphore, #tpu.memory_space<semaphore_mem>>) src(%dma_wait3A_129 : memref<64x4x100xi32, #tpu.memory_space<hbm>>) dst(%arg7 : memref<64x4x100xi32, #tpu.memory_space<vmem>>)
      tpu.yield
    }) : () -> ()
    tpu.enqueue_dma source(%arg6 : memref<400x64xf32, #tpu.memory_space<vmem_shared>>) target(%arg8 : memref<400x64xf32, #tpu.memory_space<vmem>>) target_semaphore(%arg17 : memref<!tpu.dma_semaphore, #tpu.memory_space<semaphore_mem>>)
    tpu.enqueue_dma source(%arg6 : memref<400x64xf32, #tpu.memory_space<vmem_shared>>) target(%arg9 : memref<400x64xf32, #tpu.memory_space<vmem>>) target_semaphore(%arg18 : memref<!tpu.dma_semaphore, #tpu.memory_space<semaphore_mem>>)
    tpu.wait_dma2 semaphore(%arg17 : memref<!tpu.dma_semaphore, #tpu.memory_space<semaphore_mem>>) src(%arg6 : memref<400x64xf32, #tpu.memory_space<vmem_shared>>) dst(%arg8 : memref<400x64xf32, #tpu.memory_space<vmem>>)
    %dma_start3A = arith.constant 0 : i32
    %dma_start3A_9 = arith.constant 0 : i32
    %dma_start3A_10 = arith.constant 0 : i32
    %dma_start3A_11 = arith.constant 0 : i32
    %dma_start3A_12 = tpu.memref_slice %arg8[%dma_start3A_10, %dma_start3A_11] : memref<400x64xf32, #tpu.memory_space<vmem>> -> memref<100x64xf32, #tpu.memory_space<vmem>>
    %dma_start3A_13 = arith.constant 0 : i32
    %dma_start3A_14 = tpu.memref_slice %arg7[%dma_start3A, %dma_start3A_9, %dma_start3A_13] : memref<64x4x100xi32, #tpu.memory_space<vmem>> -> memref<1x1x100xi32, #tpu.memory_space<vmem>>
    %dma_start3A_15 = tpu.memref_squeeze %dma_start3A_14 : memref<1x1x100xi32, #tpu.memory_space<vmem>> -> memref<100xi32, #tpu.memory_space<vmem>>
    %dma_start3A_16 = arith.constant 0 : i32
    %dma_start3A_17 = arith.constant 0 : i32
    %dma_start3A_18 = tpu.memref_slice %arg3[%dma_start3A_16, %dma_start3A_17] : memref<100000x64xf32, #tpu.memory_space<hbm>> -> memref<100000x64xf32, #tpu.memory_space<hbm>>
    tpu.enqueue_indirect_dma source(%dma_start3A_18 : memref<100000x64xf32, #tpu.memory_space<hbm>>) target(%dma_start3A_12 : memref<100x64xf32, #tpu.memory_space<vmem>>) offsets(%dma_start3A_15 : memref<100xi32, #tpu.memory_space<vmem>>) semaphore(%arg11 : memref<!tpu.dma_semaphore, #tpu.memory_space<semaphore_mem>>) {add = true}
    %dma_start3A_19 = arith.constant 0 : i32
    %dma_start3A_20 = arith.constant 1 : i32
    %dma_start3A_21 = arith.constant 100 : i32
    %dma_start3A_22 = arith.constant 0 : i32
    %dma_start3A_23 = tpu.memref_slice %arg8[%dma_start3A_21, %dma_start3A_22] : memref<400x64xf32, #tpu.memory_space<vmem>> -> memref<100x64xf32, #tpu.memory_space<vmem>>
    %dma_start3A_24 = arith.constant 0 : i32
    %dma_start3A_25 = tpu.memref_slice %arg7[%dma_start3A_19, %dma_start3A_20, %dma_start3A_24] : memref<64x4x100xi32, #tpu.memory_space<vmem>> -> memref<1x1x100xi32, #tpu.memory_space<vmem>>
    %dma_start3A_26 = tpu.memref_squeeze %dma_start3A_25 : memref<1x1x100xi32, #tpu.memory_space<vmem>> -> memref<100xi32, #tpu.memory_space<vmem>>
    %dma_start3A_27 = arith.constant 0 : i32
    %dma_start3A_28 = arith.constant 0 : i32
    %dma_start3A_29 = tpu.memref_slice %arg3[%dma_start3A_27, %dma_start3A_28] : memref<100000x64xf32, #tpu.memory_space<hbm>> -> memref<100000x64xf32, #tpu.memory_space<hbm>>
    tpu.enqueue_indirect_dma source(%dma_start3A_29 : memref<100000x64xf32, #tpu.memory_space<hbm>>) target(%dma_start3A_23 : memref<100x64xf32, #tpu.memory_space<vmem>>) offsets(%dma_start3A_26 : memref<100xi32, #tpu.memory_space<vmem>>) semaphore(%arg11 : memref<!tpu.dma_semaphore, #tpu.memory_space<semaphore_mem>>) {add = true}
    %dma_start3A_30 = arith.constant 0 : i32
    %dma_start3A_31 = arith.constant 2 : i32
    %dma_start3A_32 = arith.constant 200 : i32
    %dma_start3A_33 = arith.constant 0 : i32
    %dma_start3A_34 = tpu.memref_slice %arg8[%dma_start3A_32, %dma_start3A_33] : memref<400x64xf32, #tpu.memory_space<vmem>> -> memref<100x64xf32, #tpu.memory_space<vmem>>
    %dma_start3A_35 = arith.constant 0 : i32
    %dma_start3A_36 = tpu.memref_slice %arg7[%dma_start3A_30, %dma_start3A_31, %dma_start3A_35] : memref<64x4x100xi32, #tpu.memory_space<vmem>> -> memref<1x1x100xi32, #tpu.memory_space<vmem>>
    %dma_start3A_37 = tpu.memref_squeeze %dma_start3A_36 : memref<1x1x100xi32, #tpu.memory_space<vmem>> -> memref<100xi32, #tpu.memory_space<vmem>>
    %dma_start3A_38 = arith.constant 0 : i32
    %dma_start3A_39 = arith.constant 0 : i32
    %dma_start3A_40 = tpu.memref_slice %arg3[%dma_start3A_38, %dma_start3A_39] : memref<100000x64xf32, #tpu.memory_space<hbm>> -> memref<100000x64xf32, #tpu.memory_space<hbm>>
    tpu.enqueue_indirect_dma source(%dma_start3A_40 : memref<100000x64xf32, #tpu.memory_space<hbm>>) target(%dma_start3A_34 : memref<100x64xf32, #tpu.memory_space<vmem>>) offsets(%dma_start3A_37 : memref<100xi32, #tpu.memory_space<vmem>>) semaphore(%arg11 : memref<!tpu.dma_semaphore, #tpu.memory_space<semaphore_mem>>) {add = true}
    %dma_start3A_41 = arith.constant 0 : i32
    %dma_start3A_42 = arith.constant 3 : i32
    %dma_start3A_43 = arith.constant 300 : i32
    %dma_start3A_44 = arith.constant 0 : i32
    %dma_start3A_45 = tpu.memref_slice %arg8[%dma_start3A_43, %dma_start3A_44] : memref<400x64xf32, #tpu.memory_space<vmem>> -> memref<100x64xf32, #tpu.memory_space<vmem>>
    %dma_start3A_46 = arith.constant 0 : i32
    %dma_start3A_47 = tpu.memref_slice %arg7[%dma_start3A_41, %dma_start3A_42, %dma_start3A_46] : memref<64x4x100xi32, #tpu.memory_space<vmem>> -> memref<1x1x100xi32, #tpu.memory_space<vmem>>
    %dma_start3A_48 = tpu.memref_squeeze %dma_start3A_47 : memref<1x1x100xi32, #tpu.memory_space<vmem>> -> memref<100xi32, #tpu.memory_space<vmem>>
    %dma_start3A_49 = arith.constant 0 : i32
    %dma_start3A_50 = arith.constant 0 : i32
    %dma_start3A_51 = tpu.memref_slice %arg3[%dma_start3A_49, %dma_start3A_50] : memref<100000x64xf32, #tpu.memory_space<hbm>> -> memref<100000x64xf32, #tpu.memory_space<hbm>>
    tpu.enqueue_indirect_dma source(%dma_start3A_51 : memref<100000x64xf32, #tpu.memory_space<hbm>>) target(%dma_start3A_45 : memref<100x64xf32, #tpu.memory_space<vmem>>) offsets(%dma_start3A_48 : memref<100xi32, #tpu.memory_space<vmem>>) semaphore(%arg11 : memref<!tpu.dma_semaphore, #tpu.memory_space<semaphore_mem>>) {add = true}
    %scan3A = arith.constant 0 : i32
    %scan3A_52 = arith.constant 0 : i32
    %scan3A_53 = arith.constant 21 : i32
    %scan3A_54 = arith.addi %scan3A_52, %scan3A_53 : i32
    %scan3A_55 = arith.constant 1 : i32
    scf.for %scan3A_118 = %scan3A_52 to %scan3A_54 step %scan3A_55  : i32 {
      %mul3A_119 = arith.constant 3 : i32
      %mul3A_120 = arith.muli %mul3A_119, %scan3A_118 : i32
      %add3A_121 = arith.constant 0 : i32
      %add3A_122 = arith.addi %mul3A_120, %add3A_121 : i32
      %ge3A = arith.constant 1 : i32
      %ge3A_123 = arith.cmpi sge, %add3A_122, %ge3A : i32
      %convert_element_type3A_124 = arith.extui %ge3A_123 : i1 to i32
      %cond3A_125 = arith.constant 0 : i32
      %cond3A_126 = arith.cmpi ne, %convert_element_type3A_124, %cond3A_125 : i32
      scf.if %cond3A_126 {
        %sub3A = arith.constant 1 : i32
        %sub3A_327 = arith.subi %add3A_122, %sub3A : i32
        %mul3A_328 = arith.constant 400 : i32
        %mul3A_329 = arith.muli %sub3A_327, %mul3A_328 : i32
        %add3A_330 = arith.addi %mul3A_4, %mul3A_329 : i32
        %dma_wait3A_331 = arith.constant 0 : i32
        %dma_wait3A_332 = tpu.memref_slice %arg5[%add3A_330, %dma_wait3A_331] : memref<819200x64xf32, #tpu.memory_space<hbm>> -> memref<400x64xf32, #tpu.memory_space<hbm>>
        %dma_wait3A_333 = arith.constant 0 : i32
        %dma_wait3A_334 = tpu.memref_slice %arg5[%add3A_330, %dma_wait3A_333] : memref<819200x64xf32, #tpu.memory_space<hbm>> -> memref<400x64xf32, #tpu.memory_space<hbm>>
        tpu.wait_dma2 semaphore(%arg16 : memref<!tpu.dma_semaphore, #tpu.memory_space<semaphore_mem>>) src(%arg10 : memref<400x64xf32, #tpu.memory_space<vmem>>) dst(%dma_wait3A_334 : memref<400x64xf32, #tpu.memory_space<hbm>>)
      } else {
      }
      %add3A_127 = arith.constant 2 : i32
      %add3A_128 = arith.addi %add3A_122, %add3A_127 : i32
      %lt3A = arith.constant 64 : i32
      %lt3A_129 = arith.cmpi slt, %add3A_128, %lt3A : i32
      %convert_element_type3A_130 = arith.extui %lt3A_129 : i1 to i32
      %cond3A_131 = arith.constant 0 : i32
      %cond3A_132 = arith.cmpi ne, %convert_element_type3A_130, %cond3A_131 : i32
      scf.if %cond3A_132 {
        tpu.enqueue_dma source(%arg6 : memref<400x64xf32, #tpu.memory_space<vmem_shared>>) target(%arg10 : memref<400x64xf32, #tpu.memory_space<vmem>>) target_semaphore(%arg19 : memref<!tpu.dma_semaphore, #tpu.memory_space<semaphore_mem>>)
      } else {
      }
      %add3A_133 = arith.constant 1 : i32
      %add3A_134 = arith.addi %add3A_122, %add3A_133 : i32
      %lt3A_135 = arith.constant 64 : i32
      %lt3A_136 = arith.cmpi slt, %add3A_134, %lt3A_135 : i32
      %convert_element_type3A_137 = arith.extui %lt3A_136 : i1 to i32
      %cond3A_138 = arith.constant 0 : i32
      %cond3A_139 = arith.cmpi ne, %convert_element_type3A_137, %cond3A_138 : i32
      scf.if %cond3A_139 {
        tpu.wait_dma2 semaphore(%arg18 : memref<!tpu.dma_semaphore, #tpu.memory_space<semaphore_mem>>) src(%arg6 : memref<400x64xf32, #tpu.memory_space<vmem_shared>>) dst(%arg9 : memref<400x64xf32, #tpu.memory_space<vmem>>)
        %add3A_327 = arith.constant 1 : i32
        %add3A_328 = arith.addi %add3A_122, %add3A_327 : i32
        %dma_start3A_329 = arith.constant 0 : i32
        %dma_start3A_330 = arith.constant 0 : i32
        %dma_start3A_331 = arith.constant 0 : i32
        %dma_start3A_332 = tpu.memref_slice %arg9[%dma_start3A_330, %dma_start3A_331] : memref<400x64xf32, #tpu.memory_space<vmem>> -> memref<100x64xf32, #tpu.memory_space<vmem>>
        %dma_start3A_333 = arith.constant 0 : i32
        %dma_start3A_334 = tpu.memref_slice %arg7[%add3A_328, %dma_start3A_329, %dma_start3A_333] : memref<64x4x100xi32, #tpu.memory_space<vmem>> -> memref<1x1x100xi32, #tpu.memory_space<vmem>>
        %dma_start3A_335 = tpu.memref_squeeze %dma_start3A_334 : memref<1x1x100xi32, #tpu.memory_space<vmem>> -> memref<100xi32, #tpu.memory_space<vmem>>
        %dma_start3A_336 = arith.constant 0 : i32
        %dma_start3A_337 = arith.constant 0 : i32
        %dma_start3A_338 = tpu.memref_slice %arg3[%dma_start3A_336, %dma_start3A_337] : memref<100000x64xf32, #tpu.memory_space<hbm>> -> memref<100000x64xf32, #tpu.memory_space<hbm>>
        tpu.enqueue_indirect_dma source(%dma_start3A_338 : memref<100000x64xf32, #tpu.memory_space<hbm>>) target(%dma_start3A_332 : memref<100x64xf32, #tpu.memory_space<vmem>>) offsets(%dma_start3A_335 : memref<100xi32, #tpu.memory_space<vmem>>) semaphore(%arg12 : memref<!tpu.dma_semaphore, #tpu.memory_space<semaphore_mem>>) {add = true}
        %dma_start3A_339 = arith.constant 1 : i32
        %dma_start3A_340 = arith.constant 100 : i32
        %dma_start3A_341 = arith.constant 0 : i32
        %dma_start3A_342 = tpu.memref_slice %arg9[%dma_start3A_340, %dma_start3A_341] : memref<400x64xf32, #tpu.memory_space<vmem>> -> memref<100x64xf32, #tpu.memory_space<vmem>>
        %dma_start3A_343 = arith.constant 0 : i32
        %dma_start3A_344 = tpu.memref_slice %arg7[%add3A_328, %dma_start3A_339, %dma_start3A_343] : memref<64x4x100xi32, #tpu.memory_space<vmem>> -> memref<1x1x100xi32, #tpu.memory_space<vmem>>
        %dma_start3A_345 = tpu.memref_squeeze %dma_start3A_344 : memref<1x1x100xi32, #tpu.memory_space<vmem>> -> memref<100xi32, #tpu.memory_space<vmem>>
        %dma_start3A_346 = arith.constant 0 : i32
        %dma_start3A_347 = arith.constant 0 : i32
        %dma_start3A_348 = tpu.memref_slice %arg3[%dma_start3A_346, %dma_start3A_347] : memref<100000x64xf32, #tpu.memory_space<hbm>> -> memref<100000x64xf32, #tpu.memory_space<hbm>>
        tpu.enqueue_indirect_dma source(%dma_start3A_348 : memref<100000x64xf32, #tpu.memory_space<hbm>>) target(%dma_start3A_342 : memref<100x64xf32, #tpu.memory_space<vmem>>) offsets(%dma_start3A_345 : memref<100xi32, #tpu.memory_space<vmem>>) semaphore(%arg12 : memref<!tpu.dma_semaphore, #tpu.memory_space<semaphore_mem>>) {add = true}
        %dma_start3A_349 = arith.constant 2 : i32
        %dma_start3A_350 = arith.constant 200 : i32
        %dma_start3A_351 = arith.constant 0 : i32
        %dma_start3A_352 = tpu.memref_slice %arg9[%dma_start3A_350, %dma_start3A_351] : memref<400x64xf32, #tpu.memory_space<vmem>> -> memref<100x64xf32, #tpu.memory_space<vmem>>
        %dma_start3A_353 = arith.constant 0 : i32
        %dma_start3A_354 = tpu.memref_slice %arg7[%add3A_328, %dma_start3A_349, %dma_start3A_353] : memref<64x4x100xi32, #tpu.memory_space<vmem>> -> memref<1x1x100xi32, #tpu.memory_space<vmem>>
        %dma_start3A_355 = tpu.memref_squeeze %dma_start3A_354 : memref<1x1x100xi32, #tpu.memory_space<vmem>> -> memref<100xi32, #tpu.memory_space<vmem>>
        %dma_start3A_356 = arith.constant 0 : i32
        %dma_start3A_357 = arith.constant 0 : i32
        %dma_start3A_358 = tpu.memref_slice %arg3[%dma_start3A_356, %dma_start3A_357] : memref<100000x64xf32, #tpu.memory_space<hbm>> -> memref<100000x64xf32, #tpu.memory_space<hbm>>
        tpu.enqueue_indirect_dma source(%dma_start3A_358 : memref<100000x64xf32, #tpu.memory_space<hbm>>) target(%dma_start3A_352 : memref<100x64xf32, #tpu.memory_space<vmem>>) offsets(%dma_start3A_355 : memref<100xi32, #tpu.memory_space<vmem>>) semaphore(%arg12 : memref<!tpu.dma_semaphore, #tpu.memory_space<semaphore_mem>>) {add = true}
        %dma_start3A_359 = arith.constant 3 : i32
        %dma_start3A_360 = arith.constant 300 : i32
        %dma_start3A_361 = arith.constant 0 : i32
        %dma_start3A_362 = tpu.memref_slice %arg9[%dma_start3A_360, %dma_start3A_361] : memref<400x64xf32, #tpu.memory_space<vmem>> -> memref<100x64xf32, #tpu.memory_space<vmem>>
        %dma_start3A_363 = arith.constant 0 : i32
        %dma_start3A_364 = tpu.memref_slice %arg7[%add3A_328, %dma_start3A_359, %dma_start3A_363] : memref<64x4x100xi32, #tpu.memory_space<vmem>> -> memref<1x1x100xi32, #tpu.memory_space<vmem>>
        %dma_start3A_365 = tpu.memref_squeeze %dma_start3A_364 : memref<1x1x100xi32, #tpu.memory_space<vmem>> -> memref<100xi32, #tpu.memory_space<vmem>>
        %dma_start3A_366 = arith.constant 0 : i32
        %dma_start3A_367 = arith.constant 0 : i32
        %dma_start3A_368 = tpu.memref_slice %arg3[%dma_start3A_366, %dma_start3A_367] : memref<100000x64xf32, #tpu.memory_space<hbm>> -> memref<100000x64xf32, #tpu.memory_space<hbm>>
        tpu.enqueue_indirect_dma source(%dma_start3A_368 : memref<100000x64xf32, #tpu.memory_space<hbm>>) target(%dma_start3A_362 : memref<100x64xf32, #tpu.memory_space<vmem>>) offsets(%dma_start3A_365 : memref<100xi32, #tpu.memory_space<vmem>>) semaphore(%arg12 : memref<!tpu.dma_semaphore, #tpu.memory_space<semaphore_mem>>) {add = true}
      } else {
      }
      %dma_wait3A_140 = arith.constant 0 : i32
      %dma_wait3A_141 = arith.constant 0 : i32
      %dma_wait3A_142 = arith.constant 0 : i32
      %dma_wait3A_143 = tpu.memref_slice %arg8[%dma_wait3A_141, %dma_wait3A_142] : memref<400x64xf32, #tpu.memory_space<vmem>> -> memref<100x64xf32, #tpu.memory_space<vmem>>
      %dma_wait3A_144 = arith.constant 0 : i32
      %dma_wait3A_145 = tpu.memref_slice %arg7[%add3A_122, %dma_wait3A_140, %dma_wait3A_144] : memref<64x4x100xi32, #tpu.memory_space<vmem>> -> memref<1x1x100xi32, #tpu.memory_space<vmem>>
      %dma_wait3A_146 = tpu.memref_squeeze %dma_wait3A_145 : memref<1x1x100xi32, #tpu.memory_space<vmem>> -> memref<100xi32, #tpu.memory_space<vmem>>
      %dma_wait3A_147 = arith.constant 0 : i32
      %dma_wait3A_148 = arith.constant 0 : i32
      %dma_wait3A_149 = tpu.memref_slice %arg3[%dma_wait3A_147, %dma_wait3A_148] : memref<100000x64xf32, #tpu.memory_space<hbm>> -> memref<100000x64xf32, #tpu.memory_space<hbm>>
      tpu.wait_indirect_dma semaphore(%arg11 : memref<!tpu.dma_semaphore, #tpu.memory_space<semaphore_mem>>) src(%dma_wait3A_149 : memref<100000x64xf32, #tpu.memory_space<hbm>>) dst(%dma_wait3A_143 : memref<100x64xf32, #tpu.memory_space<vmem>>)
      %dma_wait3A_150 = arith.constant 1 : i32
      %dma_wait3A_151 = arith.constant 100 : i32
      %dma_wait3A_152 = arith.constant 0 : i32
      %dma_wait3A_153 = tpu.memref_slice %arg8[%dma_wait3A_151, %dma_wait3A_152] : memref<400x64xf32, #tpu.memory_space<vmem>> -> memref<100x64xf32, #tpu.memory_space<vmem>>
      %dma_wait3A_154 = arith.constant 0 : i32
      %dma_wait3A_155 = tpu.memref_slice %arg7[%add3A_122, %dma_wait3A_150, %dma_wait3A_154] : memref<64x4x100xi32, #tpu.memory_space<vmem>> -> memref<1x1x100xi32, #tpu.memory_space<vmem>>
      %dma_wait3A_156 = tpu.memref_squeeze %dma_wait3A_155 : memref<1x1x100xi32, #tpu.memory_space<vmem>> -> memref<100xi32, #tpu.memory_space<vmem>>
      %dma_wait3A_157 = arith.constant 0 : i32
      %dma_wait3A_158 = arith.constant 0 : i32
      %dma_wait3A_159 = tpu.memref_slice %arg3[%dma_wait3A_157, %dma_wait3A_158] : memref<100000x64xf32, #tpu.memory_space<hbm>> -> memref<100000x64xf32, #tpu.memory_space<hbm>>
      tpu.wait_indirect_dma semaphore(%arg11 : memref<!tpu.dma_semaphore, #tpu.memory_space<semaphore_mem>>) src(%dma_wait3A_159 : memref<100000x64xf32, #tpu.memory_space<hbm>>) dst(%dma_wait3A_153 : memref<100x64xf32, #tpu.memory_space<vmem>>)
      %dma_wait3A_160 = arith.constant 2 : i32
      %dma_wait3A_161 = arith.constant 200 : i32
      %dma_wait3A_162 = arith.constant 0 : i32
      %dma_wait3A_163 = tpu.memref_slice %arg8[%dma_wait3A_161, %dma_wait3A_162] : memref<400x64xf32, #tpu.memory_space<vmem>> -> memref<100x64xf32, #tpu.memory_space<vmem>>
      %dma_wait3A_164 = arith.constant 0 : i32
      %dma_wait3A_165 = tpu.memref_slice %arg7[%add3A_122, %dma_wait3A_160, %dma_wait3A_164] : memref<64x4x100xi32, #tpu.memory_space<vmem>> -> memref<1x1x100xi32, #tpu.memory_space<vmem>>
      %dma_wait3A_166 = tpu.memref_squeeze %dma_wait3A_165 : memref<1x1x100xi32, #tpu.memory_space<vmem>> -> memref<100xi32, #tpu.memory_space<vmem>>
      %dma_wait3A_167 = arith.constant 0 : i32
      %dma_wait3A_168 = arith.constant 0 : i32
      %dma_wait3A_169 = tpu.memref_slice %arg3[%dma_wait3A_167, %dma_wait3A_168] : memref<100000x64xf32, #tpu.memory_space<hbm>> -> memref<100000x64xf32, #tpu.memory_space<hbm>>
      tpu.wait_indirect_dma semaphore(%arg11 : memref<!tpu.dma_semaphore, #tpu.memory_space<semaphore_mem>>) src(%dma_wait3A_169 : memref<100000x64xf32, #tpu.memory_space<hbm>>) dst(%dma_wait3A_163 : memref<100x64xf32, #tpu.memory_space<vmem>>)
      %dma_wait3A_170 = arith.constant 3 : i32
      %dma_wait3A_171 = arith.constant 300 : i32
      %dma_wait3A_172 = arith.constant 0 : i32
      %dma_wait3A_173 = tpu.memref_slice %arg8[%dma_wait3A_171, %dma_wait3A_172] : memref<400x64xf32, #tpu.memory_space<vmem>> -> memref<100x64xf32, #tpu.memory_space<vmem>>
      %dma_wait3A_174 = arith.constant 0 : i32
      %dma_wait3A_175 = tpu.memref_slice %arg7[%add3A_122, %dma_wait3A_170, %dma_wait3A_174] : memref<64x4x100xi32, #tpu.memory_space<vmem>> -> memref<1x1x100xi32, #tpu.memory_space<vmem>>
      %dma_wait3A_176 = tpu.memref_squeeze %dma_wait3A_175 : memref<1x1x100xi32, #tpu.memory_space<vmem>> -> memref<100xi32, #tpu.memory_space<vmem>>
      %dma_wait3A_177 = arith.constant 0 : i32
      %dma_wait3A_178 = arith.constant 0 : i32
      %dma_wait3A_179 = tpu.memref_slice %arg3[%dma_wait3A_177, %dma_wait3A_178] : memref<100000x64xf32, #tpu.memory_space<hbm>> -> memref<100000x64xf32, #tpu.memory_space<hbm>>
      tpu.wait_indirect_dma semaphore(%arg11 : memref<!tpu.dma_semaphore, #tpu.memory_space<semaphore_mem>>) src(%dma_wait3A_179 : memref<100000x64xf32, #tpu.memory_space<hbm>>) dst(%dma_wait3A_173 : memref<100x64xf32, #tpu.memory_space<vmem>>)
      %mul3A_180 = arith.constant 400 : i32
      %mul3A_181 = arith.muli %add3A_122, %mul3A_180 : i32
      %add3A_182 = arith.addi %mul3A_4, %mul3A_181 : i32
      %dma_start3A_183 = arith.constant 0 : i32
      %dma_start3A_184 = tpu.memref_slice %arg5[%add3A_182, %dma_start3A_183] : memref<819200x64xf32, #tpu.memory_space<hbm>> -> memref<400x64xf32, #tpu.memory_space<hbm>>
      %dma_start3A_185 = arith.constant 0 : i32
      %dma_start3A_186 = tpu.memref_slice %arg5[%add3A_182, %dma_start3A_185] : memref<819200x64xf32, #tpu.memory_space<hbm>> -> memref<400x64xf32, #tpu.memory_space<hbm>>
      tpu.enqueue_dma source(%arg8 : memref<400x64xf32, #tpu.memory_space<vmem>>) target(%dma_start3A_186 : memref<400x64xf32, #tpu.memory_space<hbm>>) target_semaphore(%arg14 : memref<!tpu.dma_semaphore, #tpu.memory_space<semaphore_mem>>)
      %mul3A_187 = arith.constant 3 : i32
      %mul3A_188 = arith.muli %mul3A_187, %scan3A_118 : i32
      %add3A_189 = arith.constant 1 : i32
      %add3A_190 = arith.addi %mul3A_188, %add3A_189 : i32
      %ge3A_191 = arith.constant 1 : i32
      %ge3A_192 = arith.cmpi sge, %add3A_190, %ge3A_191 : i32
      %convert_element_type3A_193 = arith.extui %ge3A_192 : i1 to i32
      %cond3A_194 = arith.constant 0 : i32
      %cond3A_195 = arith.cmpi ne, %convert_element_type3A_193, %cond3A_194 : i32
      scf.if %cond3A_195 {
        %sub3A = arith.constant 1 : i32
        %sub3A_327 = arith.subi %add3A_190, %sub3A : i32
        %mul3A_328 = arith.constant 400 : i32
        %mul3A_329 = arith.muli %sub3A_327, %mul3A_328 : i32
        %add3A_330 = arith.addi %mul3A_4, %mul3A_329 : i32
        %dma_wait3A_331 = arith.constant 0 : i32
        %dma_wait3A_332 = tpu.memref_slice %arg5[%add3A_330, %dma_wait3A_331] : memref<819200x64xf32, #tpu.memory_space<hbm>> -> memref<400x64xf32, #tpu.memory_space<hbm>>
        %dma_wait3A_333 = arith.constant 0 : i32
        %dma_wait3A_334 = tpu.memref_slice %arg5[%add3A_330, %dma_wait3A_333] : memref<819200x64xf32, #tpu.memory_space<hbm>> -> memref<400x64xf32, #tpu.memory_space<hbm>>
        tpu.wait_dma2 semaphore(%arg14 : memref<!tpu.dma_semaphore, #tpu.memory_space<semaphore_mem>>) src(%arg8 : memref<400x64xf32, #tpu.memory_space<vmem>>) dst(%dma_wait3A_334 : memref<400x64xf32, #tpu.memory_space<hbm>>)
      } else {
      }
      %add3A_196 = arith.constant 2 : i32
      %add3A_197 = arith.addi %add3A_190, %add3A_196 : i32
      %lt3A_198 = arith.constant 64 : i32
      %lt3A_199 = arith.cmpi slt, %add3A_197, %lt3A_198 : i32
      %convert_element_type3A_200 = arith.extui %lt3A_199 : i1 to i32
      %cond3A_201 = arith.constant 0 : i32
      %cond3A_202 = arith.cmpi ne, %convert_element_type3A_200, %cond3A_201 : i32
      scf.if %cond3A_202 {
        tpu.enqueue_dma source(%arg6 : memref<400x64xf32, #tpu.memory_space<vmem_shared>>) target(%arg8 : memref<400x64xf32, #tpu.memory_space<vmem>>) target_semaphore(%arg17 : memref<!tpu.dma_semaphore, #tpu.memory_space<semaphore_mem>>)
      } else {
      }
      %add3A_203 = arith.constant 1 : i32
      %add3A_204 = arith.addi %add3A_190, %add3A_203 : i32
      %lt3A_205 = arith.constant 64 : i32
      %lt3A_206 = arith.cmpi slt, %add3A_204, %lt3A_205 : i32
      %convert_element_type3A_207 = arith.extui %lt3A_206 : i1 to i32
      %cond3A_208 = arith.constant 0 : i32
      %cond3A_209 = arith.cmpi ne, %convert_element_type3A_207, %cond3A_208 : i32
      scf.if %cond3A_209 {
        tpu.wait_dma2 semaphore(%arg19 : memref<!tpu.dma_semaphore, #tpu.memory_space<semaphore_mem>>) src(%arg6 : memref<400x64xf32, #tpu.memory_space<vmem_shared>>) dst(%arg10 : memref<400x64xf32, #tpu.memory_space<vmem>>)
        %add3A_327 = arith.constant 1 : i32
        %add3A_328 = arith.addi %add3A_190, %add3A_327 : i32
        %dma_start3A_329 = arith.constant 0 : i32
        %dma_start3A_330 = arith.constant 0 : i32
        %dma_start3A_331 = arith.constant 0 : i32
        %dma_start3A_332 = tpu.memref_slice %arg10[%dma_start3A_330, %dma_start3A_331] : memref<400x64xf32, #tpu.memory_space<vmem>> -> memref<100x64xf32, #tpu.memory_space<vmem>>
        %dma_start3A_333 = arith.constant 0 : i32
        %dma_start3A_334 = tpu.memref_slice %arg7[%add3A_328, %dma_start3A_329, %dma_start3A_333] : memref<64x4x100xi32, #tpu.memory_space<vmem>> -> memref<1x1x100xi32, #tpu.memory_space<vmem>>
        %dma_start3A_335 = tpu.memref_squeeze %dma_start3A_334 : memref<1x1x100xi32, #tpu.memory_space<vmem>> -> memref<100xi32, #tpu.memory_space<vmem>>
        %dma_start3A_336 = arith.constant 0 : i32
        %dma_start3A_337 = arith.constant 0 : i32
        %dma_start3A_338 = tpu.memref_slice %arg3[%dma_start3A_336, %dma_start3A_337] : memref<100000x64xf32, #tpu.memory_space<hbm>> -> memref<100000x64xf32, #tpu.memory_space<hbm>>
        tpu.enqueue_indirect_dma source(%dma_start3A_338 : memref<100000x64xf32, #tpu.memory_space<hbm>>) target(%dma_start3A_332 : memref<100x64xf32, #tpu.memory_space<vmem>>) offsets(%dma_start3A_335 : memref<100xi32, #tpu.memory_space<vmem>>) semaphore(%arg13 : memref<!tpu.dma_semaphore, #tpu.memory_space<semaphore_mem>>) {add = true}
        %dma_start3A_339 = arith.constant 1 : i32
        %dma_start3A_340 = arith.constant 100 : i32
        %dma_start3A_341 = arith.constant 0 : i32
        %dma_start3A_342 = tpu.memref_slice %arg10[%dma_start3A_340, %dma_start3A_341] : memref<400x64xf32, #tpu.memory_space<vmem>> -> memref<100x64xf32, #tpu.memory_space<vmem>>
        %dma_start3A_343 = arith.constant 0 : i32
        %dma_start3A_344 = tpu.memref_slice %arg7[%add3A_328, %dma_start3A_339, %dma_start3A_343] : memref<64x4x100xi32, #tpu.memory_space<vmem>> -> memref<1x1x100xi32, #tpu.memory_space<vmem>>
        %dma_start3A_345 = tpu.memref_squeeze %dma_start3A_344 : memref<1x1x100xi32, #tpu.memory_space<vmem>> -> memref<100xi32, #tpu.memory_space<vmem>>
        %dma_start3A_346 = arith.constant 0 : i32
        %dma_start3A_347 = arith.constant 0 : i32
        %dma_start3A_348 = tpu.memref_slice %arg3[%dma_start3A_346, %dma_start3A_347] : memref<100000x64xf32, #tpu.memory_space<hbm>> -> memref<100000x64xf32, #tpu.memory_space<hbm>>
        tpu.enqueue_indirect_dma source(%dma_start3A_348 : memref<100000x64xf32, #tpu.memory_space<hbm>>) target(%dma_start3A_342 : memref<100x64xf32, #tpu.memory_space<vmem>>) offsets(%dma_start3A_345 : memref<100xi32, #tpu.memory_space<vmem>>) semaphore(%arg13 : memref<!tpu.dma_semaphore, #tpu.memory_space<semaphore_mem>>) {add = true}
        %dma_start3A_349 = arith.constant 2 : i32
        %dma_start3A_350 = arith.constant 200 : i32
        %dma_start3A_351 = arith.constant 0 : i32
        %dma_start3A_352 = tpu.memref_slice %arg10[%dma_start3A_350, %dma_start3A_351] : memref<400x64xf32, #tpu.memory_space<vmem>> -> memref<100x64xf32, #tpu.memory_space<vmem>>
        %dma_start3A_353 = arith.constant 0 : i32
        %dma_start3A_354 = tpu.memref_slice %arg7[%add3A_328, %dma_start3A_349, %dma_start3A_353] : memref<64x4x100xi32, #tpu.memory_space<vmem>> -> memref<1x1x100xi32, #tpu.memory_space<vmem>>
        %dma_start3A_355 = tpu.memref_squeeze %dma_start3A_354 : memref<1x1x100xi32, #tpu.memory_space<vmem>> -> memref<100xi32, #tpu.memory_space<vmem>>
        %dma_start3A_356 = arith.constant 0 : i32
        %dma_start3A_357 = arith.constant 0 : i32
        %dma_start3A_358 = tpu.memref_slice %arg3[%dma_start3A_356, %dma_start3A_357] : memref<100000x64xf32, #tpu.memory_space<hbm>> -> memref<100000x64xf32, #tpu.memory_space<hbm>>
        tpu.enqueue_indirect_dma source(%dma_start3A_358 : memref<100000x64xf32, #tpu.memory_space<hbm>>) target(%dma_start3A_352 : memref<100x64xf32, #tpu.memory_space<vmem>>) offsets(%dma_start3A_355 : memref<100xi32, #tpu.memory_space<vmem>>) semaphore(%arg13 : memref<!tpu.dma_semaphore, #tpu.memory_space<semaphore_mem>>) {add = true}
        %dma_start3A_359 = arith.constant 3 : i32
        %dma_start3A_360 = arith.constant 300 : i32
        %dma_start3A_361 = arith.constant 0 : i32
        %dma_start3A_362 = tpu.memref_slice %arg10[%dma_start3A_360, %dma_start3A_361] : memref<400x64xf32, #tpu.memory_space<vmem>> -> memref<100x64xf32, #tpu.memory_space<vmem>>
        %dma_start3A_363 = arith.constant 0 : i32
        %dma_start3A_364 = tpu.memref_slice %arg7[%add3A_328, %dma_start3A_359, %dma_start3A_363] : memref<64x4x100xi32, #tpu.memory_space<vmem>> -> memref<1x1x100xi32, #tpu.memory_space<vmem>>
        %dma_start3A_365 = tpu.memref_squeeze %dma_start3A_364 : memref<1x1x100xi32, #tpu.memory_space<vmem>> -> memref<100xi32, #tpu.memory_space<vmem>>
        %dma_start3A_366 = arith.constant 0 : i32
        %dma_start3A_367 = arith.constant 0 : i32
        %dma_start3A_368 = tpu.memref_slice %arg3[%dma_start3A_366, %dma_start3A_367] : memref<100000x64xf32, #tpu.memory_space<hbm>> -> memref<100000x64xf32, #tpu.memory_space<hbm>>
        tpu.enqueue_indirect_dma source(%dma_start3A_368 : memref<100000x64xf32, #tpu.memory_space<hbm>>) target(%dma_start3A_362 : memref<100x64xf32, #tpu.memory_space<vmem>>) offsets(%dma_start3A_365 : memref<100xi32, #tpu.memory_space<vmem>>) semaphore(%arg13 : memref<!tpu.dma_semaphore, #tpu.memory_space<semaphore_mem>>) {add = true}
      } else {
      }
      %dma_wait3A_210 = arith.constant 0 : i32
      %dma_wait3A_211 = arith.constant 0 : i32
      %dma_wait3A_212 = arith.constant 0 : i32
      %dma_wait3A_213 = tpu.memref_slice %arg9[%dma_wait3A_211, %dma_wait3A_212] : memref<400x64xf32, #tpu.memory_space<vmem>> -> memref<100x64xf32, #tpu.memory_space<vmem>>
      %dma_wait3A_214 = arith.constant 0 : i32
      %dma_wait3A_215 = tpu.memref_slice %arg7[%add3A_190, %dma_wait3A_210, %dma_wait3A_214] : memref<64x4x100xi32, #tpu.memory_space<vmem>> -> memref<1x1x100xi32, #tpu.memory_space<vmem>>
      %dma_wait3A_216 = tpu.memref_squeeze %dma_wait3A_215 : memref<1x1x100xi32, #tpu.memory_space<vmem>> -> memref<100xi32, #tpu.memory_space<vmem>>
      %dma_wait3A_217 = arith.constant 0 : i32
      %dma_wait3A_218 = arith.constant 0 : i32
      %dma_wait3A_219 = tpu.memref_slice %arg3[%dma_wait3A_217, %dma_wait3A_218] : memref<100000x64xf32, #tpu.memory_space<hbm>> -> memref<100000x64xf32, #tpu.memory_space<hbm>>
      tpu.wait_indirect_dma semaphore(%arg12 : memref<!tpu.dma_semaphore, #tpu.memory_space<semaphore_mem>>) src(%dma_wait3A_219 : memref<100000x64xf32, #tpu.memory_space<hbm>>) dst(%dma_wait3A_213 : memref<100x64xf32, #tpu.memory_space<vmem>>)
      %dma_wait3A_220 = arith.constant 1 : i32
      %dma_wait3A_221 = arith.constant 100 : i32
      %dma_wait3A_222 = arith.constant 0 : i32
      %dma_wait3A_223 = tpu.memref_slice %arg9[%dma_wait3A_221, %dma_wait3A_222] : memref<400x64xf32, #tpu.memory_space<vmem>> -> memref<100x64xf32, #tpu.memory_space<vmem>>
      %dma_wait3A_224 = arith.constant 0 : i32
      %dma_wait3A_225 = tpu.memref_slice %arg7[%add3A_190, %dma_wait3A_220, %dma_wait3A_224] : memref<64x4x100xi32, #tpu.memory_space<vmem>> -> memref<1x1x100xi32, #tpu.memory_space<vmem>>
      %dma_wait3A_226 = tpu.memref_squeeze %dma_wait3A_225 : memref<1x1x100xi32, #tpu.memory_space<vmem>> -> memref<100xi32, #tpu.memory_space<vmem>>
      %dma_wait3A_227 = arith.constant 0 : i32
      %dma_wait3A_228 = arith.constant 0 : i32
      %dma_wait3A_229 = tpu.memref_slice %arg3[%dma_wait3A_227, %dma_wait3A_228] : memref<100000x64xf32, #tpu.memory_space<hbm>> -> memref<100000x64xf32, #tpu.memory_space<hbm>>
      tpu.wait_indirect_dma semaphore(%arg12 : memref<!tpu.dma_semaphore, #tpu.memory_space<semaphore_mem>>) src(%dma_wait3A_229 : memref<100000x64xf32, #tpu.memory_space<hbm>>) dst(%dma_wait3A_223 : memref<100x64xf32, #tpu.memory_space<vmem>>)
      %dma_wait3A_230 = arith.constant 2 : i32
      %dma_wait3A_231 = arith.constant 200 : i32
      %dma_wait3A_232 = arith.constant 0 : i32
      %dma_wait3A_233 = tpu.memref_slice %arg9[%dma_wait3A_231, %dma_wait3A_232] : memref<400x64xf32, #tpu.memory_space<vmem>> -> memref<100x64xf32, #tpu.memory_space<vmem>>
      %dma_wait3A_234 = arith.constant 0 : i32
      %dma_wait3A_235 = tpu.memref_slice %arg7[%add3A_190, %dma_wait3A_230, %dma_wait3A_234] : memref<64x4x100xi32, #tpu.memory_space<vmem>> -> memref<1x1x100xi32, #tpu.memory_space<vmem>>
      %dma_wait3A_236 = tpu.memref_squeeze %dma_wait3A_235 : memref<1x1x100xi32, #tpu.memory_space<vmem>> -> memref<100xi32, #tpu.memory_space<vmem>>
      %dma_wait3A_237 = arith.constant 0 : i32
      %dma_wait3A_238 = arith.constant 0 : i32
      %dma_wait3A_239 = tpu.memref_slice %arg3[%dma_wait3A_237, %dma_wait3A_238] : memref<100000x64xf32, #tpu.memory_space<hbm>> -> memref<100000x64xf32, #tpu.memory_space<hbm>>
      tpu.wait_indirect_dma semaphore(%arg12 : memref<!tpu.dma_semaphore, #tpu.memory_space<semaphore_mem>>) src(%dma_wait3A_239 : memref<100000x64xf32, #tpu.memory_space<hbm>>) dst(%dma_wait3A_233 : memref<100x64xf32, #tpu.memory_space<vmem>>)
      %dma_wait3A_240 = arith.constant 3 : i32
      %dma_wait3A_241 = arith.constant 300 : i32
      %dma_wait3A_242 = arith.constant 0 : i32
      %dma_wait3A_243 = tpu.memref_slice %arg9[%dma_wait3A_241, %dma_wait3A_242] : memref<400x64xf32, #tpu.memory_space<vmem>> -> memref<100x64xf32, #tpu.memory_space<vmem>>
      %dma_wait3A_244 = arith.constant 0 : i32
      %dma_wait3A_245 = tpu.memref_slice %arg7[%add3A_190, %dma_wait3A_240, %dma_wait3A_244] : memref<64x4x100xi32, #tpu.memory_space<vmem>> -> memref<1x1x100xi32, #tpu.memory_space<vmem>>
      %dma_wait3A_246 = tpu.memref_squeeze %dma_wait3A_245 : memref<1x1x100xi32, #tpu.memory_space<vmem>> -> memref<100xi32, #tpu.memory_space<vmem>>
      %dma_wait3A_247 = arith.constant 0 : i32
      %dma_wait3A_248 = arith.constant 0 : i32
      %dma_wait3A_249 = tpu.memref_slice %arg3[%dma_wait3A_247, %dma_wait3A_248] : memref<100000x64xf32, #tpu.memory_space<hbm>> -> memref<100000x64xf32, #tpu.memory_space<hbm>>
      tpu.wait_indirect_dma semaphore(%arg12 : memref<!tpu.dma_semaphore, #tpu.memory_space<semaphore_mem>>) src(%dma_wait3A_249 : memref<100000x64xf32, #tpu.memory_space<hbm>>) dst(%dma_wait3A_243 : memref<100x64xf32, #tpu.memory_space<vmem>>)
      %mul3A_250 = arith.constant 400 : i32
      %mul3A_251 = arith.muli %add3A_190, %mul3A_250 : i32
      %add3A_252 = arith.addi %mul3A_4, %mul3A_251 : i32
      %dma_start3A_253 = arith.constant 0 : i32
      %dma_start3A_254 = tpu.memref_slice %arg5[%add3A_252, %dma_start3A_253] : memref<819200x64xf32, #tpu.memory_space<hbm>> -> memref<400x64xf32, #tpu.memory_space<hbm>>
      %dma_start3A_255 = arith.constant 0 : i32
      %dma_start3A_256 = tpu.memref_slice %arg5[%add3A_252, %dma_start3A_255] : memref<819200x64xf32, #tpu.memory_space<hbm>> -> memref<400x64xf32, #tpu.memory_space<hbm>>
      tpu.enqueue_dma source(%arg9 : memref<400x64xf32, #tpu.memory_space<vmem>>) target(%dma_start3A_256 : memref<400x64xf32, #tpu.memory_space<hbm>>) target_semaphore(%arg15 : memref<!tpu.dma_semaphore, #tpu.memory_space<semaphore_mem>>)
      %mul3A_257 = arith.constant 3 : i32
      %mul3A_258 = arith.muli %mul3A_257, %scan3A_118 : i32
      %add3A_259 = arith.constant 2 : i32
      %add3A_260 = arith.addi %mul3A_258, %add3A_259 : i32
      %ge3A_261 = arith.constant 1 : i32
      %ge3A_262 = arith.cmpi sge, %add3A_260, %ge3A_261 : i32
      %convert_element_type3A_263 = arith.extui %ge3A_262 : i1 to i32
      %cond3A_264 = arith.constant 0 : i32
      %cond3A_265 = arith.cmpi ne, %convert_element_type3A_263, %cond3A_264 : i32
      scf.if %cond3A_265 {
        %sub3A = arith.constant 1 : i32
        %sub3A_327 = arith.subi %add3A_260, %sub3A : i32
        %mul3A_328 = arith.constant 400 : i32
        %mul3A_329 = arith.muli %sub3A_327, %mul3A_328 : i32
        %add3A_330 = arith.addi %mul3A_4, %mul3A_329 : i32
        %dma_wait3A_331 = arith.constant 0 : i32
        %dma_wait3A_332 = tpu.memref_slice %arg5[%add3A_330, %dma_wait3A_331] : memref<819200x64xf32, #tpu.memory_space<hbm>> -> memref<400x64xf32, #tpu.memory_space<hbm>>
        %dma_wait3A_333 = arith.constant 0 : i32
        %dma_wait3A_334 = tpu.memref_slice %arg5[%add3A_330, %dma_wait3A_333] : memref<819200x64xf32, #tpu.memory_space<hbm>> -> memref<400x64xf32, #tpu.memory_space<hbm>>
        tpu.wait_dma2 semaphore(%arg15 : memref<!tpu.dma_semaphore, #tpu.memory_space<semaphore_mem>>) src(%arg9 : memref<400x64xf32, #tpu.memory_space<vmem>>) dst(%dma_wait3A_334 : memref<400x64xf32, #tpu.memory_space<hbm>>)
      } else {
      }
      %add3A_266 = arith.constant 2 : i32
      %add3A_267 = arith.addi %add3A_260, %add3A_266 : i32
      %lt3A_268 = arith.constant 64 : i32
      %lt3A_269 = arith.cmpi slt, %add3A_267, %lt3A_268 : i32
      %convert_element_type3A_270 = arith.extui %lt3A_269 : i1 to i32
      %cond3A_271 = arith.constant 0 : i32
      %cond3A_272 = arith.cmpi ne, %convert_element_type3A_270, %cond3A_271 : i32
      scf.if %cond3A_272 {
        tpu.enqueue_dma source(%arg6 : memref<400x64xf32, #tpu.memory_space<vmem_shared>>) target(%arg9 : memref<400x64xf32, #tpu.memory_space<vmem>>) target_semaphore(%arg18 : memref<!tpu.dma_semaphore, #tpu.memory_space<semaphore_mem>>)
      } else {
      }
      %add3A_273 = arith.constant 1 : i32
      %add3A_274 = arith.addi %add3A_260, %add3A_273 : i32
      %lt3A_275 = arith.constant 64 : i32
      %lt3A_276 = arith.cmpi slt, %add3A_274, %lt3A_275 : i32
      %convert_element_type3A_277 = arith.extui %lt3A_276 : i1 to i32
      %cond3A_278 = arith.constant 0 : i32
      %cond3A_279 = arith.cmpi ne, %convert_element_type3A_277, %cond3A_278 : i32
      scf.if %cond3A_279 {
        tpu.wait_dma2 semaphore(%arg17 : memref<!tpu.dma_semaphore, #tpu.memory_space<semaphore_mem>>) src(%arg6 : memref<400x64xf32, #tpu.memory_space<vmem_shared>>) dst(%arg8 : memref<400x64xf32, #tpu.memory_space<vmem>>)
        %add3A_327 = arith.constant 1 : i32
        %add3A_328 = arith.addi %add3A_260, %add3A_327 : i32
        %dma_start3A_329 = arith.constant 0 : i32
        %dma_start3A_330 = arith.constant 0 : i32
        %dma_start3A_331 = arith.constant 0 : i32
        %dma_start3A_332 = tpu.memref_slice %arg8[%dma_start3A_330, %dma_start3A_331] : memref<400x64xf32, #tpu.memory_space<vmem>> -> memref<100x64xf32, #tpu.memory_space<vmem>>
        %dma_start3A_333 = arith.constant 0 : i32
        %dma_start3A_334 = tpu.memref_slice %arg7[%add3A_328, %dma_start3A_329, %dma_start3A_333] : memref<64x4x100xi32, #tpu.memory_space<vmem>> -> memref<1x1x100xi32, #tpu.memory_space<vmem>>
        %dma_start3A_335 = tpu.memref_squeeze %dma_start3A_334 : memref<1x1x100xi32, #tpu.memory_space<vmem>> -> memref<100xi32, #tpu.memory_space<vmem>>
        %dma_start3A_336 = arith.constant 0 : i32
        %dma_start3A_337 = arith.constant 0 : i32
        %dma_start3A_338 = tpu.memref_slice %arg3[%dma_start3A_336, %dma_start3A_337] : memref<100000x64xf32, #tpu.memory_space<hbm>> -> memref<100000x64xf32, #tpu.memory_space<hbm>>
        tpu.enqueue_indirect_dma source(%dma_start3A_338 : memref<100000x64xf32, #tpu.memory_space<hbm>>) target(%dma_start3A_332 : memref<100x64xf32, #tpu.memory_space<vmem>>) offsets(%dma_start3A_335 : memref<100xi32, #tpu.memory_space<vmem>>) semaphore(%arg11 : memref<!tpu.dma_semaphore, #tpu.memory_space<semaphore_mem>>) {add = true}
        %dma_start3A_339 = arith.constant 1 : i32
        %dma_start3A_340 = arith.constant 100 : i32
        %dma_start3A_341 = arith.constant 0 : i32
        %dma_start3A_342 = tpu.memref_slice %arg8[%dma_start3A_340, %dma_start3A_341] : memref<400x64xf32, #tpu.memory_space<vmem>> -> memref<100x64xf32, #tpu.memory_space<vmem>>
        %dma_start3A_343 = arith.constant 0 : i32
        %dma_start3A_344 = tpu.memref_slice %arg7[%add3A_328, %dma_start3A_339, %dma_start3A_343] : memref<64x4x100xi32, #tpu.memory_space<vmem>> -> memref<1x1x100xi32, #tpu.memory_space<vmem>>
        %dma_start3A_345 = tpu.memref_squeeze %dma_start3A_344 : memref<1x1x100xi32, #tpu.memory_space<vmem>> -> memref<100xi32, #tpu.memory_space<vmem>>
        %dma_start3A_346 = arith.constant 0 : i32
        %dma_start3A_347 = arith.constant 0 : i32
        %dma_start3A_348 = tpu.memref_slice %arg3[%dma_start3A_346, %dma_start3A_347] : memref<100000x64xf32, #tpu.memory_space<hbm>> -> memref<100000x64xf32, #tpu.memory_space<hbm>>
        tpu.enqueue_indirect_dma source(%dma_start3A_348 : memref<100000x64xf32, #tpu.memory_space<hbm>>) target(%dma_start3A_342 : memref<100x64xf32, #tpu.memory_space<vmem>>) offsets(%dma_start3A_345 : memref<100xi32, #tpu.memory_space<vmem>>) semaphore(%arg11 : memref<!tpu.dma_semaphore, #tpu.memory_space<semaphore_mem>>) {add = true}
        %dma_start3A_349 = arith.constant 2 : i32
        %dma_start3A_350 = arith.constant 200 : i32
        %dma_start3A_351 = arith.constant 0 : i32
        %dma_start3A_352 = tpu.memref_slice %arg8[%dma_start3A_350, %dma_start3A_351] : memref<400x64xf32, #tpu.memory_space<vmem>> -> memref<100x64xf32, #tpu.memory_space<vmem>>
        %dma_start3A_353 = arith.constant 0 : i32
        %dma_start3A_354 = tpu.memref_slice %arg7[%add3A_328, %dma_start3A_349, %dma_start3A_353] : memref<64x4x100xi32, #tpu.memory_space<vmem>> -> memref<1x1x100xi32, #tpu.memory_space<vmem>>
        %dma_start3A_355 = tpu.memref_squeeze %dma_start3A_354 : memref<1x1x100xi32, #tpu.memory_space<vmem>> -> memref<100xi32, #tpu.memory_space<vmem>>
        %dma_start3A_356 = arith.constant 0 : i32
        %dma_start3A_357 = arith.constant 0 : i32
        %dma_start3A_358 = tpu.memref_slice %arg3[%dma_start3A_356, %dma_start3A_357] : memref<100000x64xf32, #tpu.memory_space<hbm>> -> memref<100000x64xf32, #tpu.memory_space<hbm>>
        tpu.enqueue_indirect_dma source(%dma_start3A_358 : memref<100000x64xf32, #tpu.memory_space<hbm>>) target(%dma_start3A_352 : memref<100x64xf32, #tpu.memory_space<vmem>>) offsets(%dma_start3A_355 : memref<100xi32, #tpu.memory_space<vmem>>) semaphore(%arg11 : memref<!tpu.dma_semaphore, #tpu.memory_space<semaphore_mem>>) {add = true}
        %dma_start3A_359 = arith.constant 3 : i32
        %dma_start3A_360 = arith.constant 300 : i32
        %dma_start3A_361 = arith.constant 0 : i32
        %dma_start3A_362 = tpu.memref_slice %arg8[%dma_start3A_360, %dma_start3A_361] : memref<400x64xf32, #tpu.memory_space<vmem>> -> memref<100x64xf32, #tpu.memory_space<vmem>>
        %dma_start3A_363 = arith.constant 0 : i32
        %dma_start3A_364 = tpu.memref_slice %arg7[%add3A_328, %dma_start3A_359, %dma_start3A_363] : memref<64x4x100xi32, #tpu.memory_space<vmem>> -> memref<1x1x100xi32, #tpu.memory_space<vmem>>
        %dma_start3A_365 = tpu.memref_squeeze %dma_start3A_364 : memref<1x1x100xi32, #tpu.memory_space<vmem>> -> memref<100xi32, #tpu.memory_space<vmem>>
        %dma_start3A_366 = arith.constant 0 : i32
        %dma_start3A_367 = arith.constant 0 : i32
        %dma_start3A_368 = tpu.memref_slice %arg3[%dma_start3A_366, %dma_start3A_367] : memref<100000x64xf32, #tpu.memory_space<hbm>> -> memref<100000x64xf32, #tpu.memory_space<hbm>>
        tpu.enqueue_indirect_dma source(%dma_start3A_368 : memref<100000x64xf32, #tpu.memory_space<hbm>>) target(%dma_start3A_362 : memref<100x64xf32, #tpu.memory_space<vmem>>) offsets(%dma_start3A_365 : memref<100xi32, #tpu.memory_space<vmem>>) semaphore(%arg11 : memref<!tpu.dma_semaphore, #tpu.memory_space<semaphore_mem>>) {add = true}
      } else {
      }
      %dma_wait3A_280 = arith.constant 0 : i32
      %dma_wait3A_281 = arith.constant 0 : i32
      %dma_wait3A_282 = arith.constant 0 : i32
      %dma_wait3A_283 = tpu.memref_slice %arg10[%dma_wait3A_281, %dma_wait3A_282] : memref<400x64xf32, #tpu.memory_space<vmem>> -> memref<100x64xf32, #tpu.memory_space<vmem>>
      %dma_wait3A_284 = arith.constant 0 : i32
      %dma_wait3A_285 = tpu.memref_slice %arg7[%add3A_260, %dma_wait3A_280, %dma_wait3A_284] : memref<64x4x100xi32, #tpu.memory_space<vmem>> -> memref<1x1x100xi32, #tpu.memory_space<vmem>>
      %dma_wait3A_286 = tpu.memref_squeeze %dma_wait3A_285 : memref<1x1x100xi32, #tpu.memory_space<vmem>> -> memref<100xi32, #tpu.memory_space<vmem>>
      %dma_wait3A_287 = arith.constant 0 : i32
      %dma_wait3A_288 = arith.constant 0 : i32
      %dma_wait3A_289 = tpu.memref_slice %arg3[%dma_wait3A_287, %dma_wait3A_288] : memref<100000x64xf32, #tpu.memory_space<hbm>> -> memref<100000x64xf32, #tpu.memory_space<hbm>>
      tpu.wait_indirect_dma semaphore(%arg13 : memref<!tpu.dma_semaphore, #tpu.memory_space<semaphore_mem>>) src(%dma_wait3A_289 : memref<100000x64xf32, #tpu.memory_space<hbm>>) dst(%dma_wait3A_283 : memref<100x64xf32, #tpu.memory_space<vmem>>)
      %dma_wait3A_290 = arith.constant 1 : i32
      %dma_wait3A_291 = arith.constant 100 : i32
      %dma_wait3A_292 = arith.constant 0 : i32
      %dma_wait3A_293 = tpu.memref_slice %arg10[%dma_wait3A_291, %dma_wait3A_292] : memref<400x64xf32, #tpu.memory_space<vmem>> -> memref<100x64xf32, #tpu.memory_space<vmem>>
      %dma_wait3A_294 = arith.constant 0 : i32
      %dma_wait3A_295 = tpu.memref_slice %arg7[%add3A_260, %dma_wait3A_290, %dma_wait3A_294] : memref<64x4x100xi32, #tpu.memory_space<vmem>> -> memref<1x1x100xi32, #tpu.memory_space<vmem>>
      %dma_wait3A_296 = tpu.memref_squeeze %dma_wait3A_295 : memref<1x1x100xi32, #tpu.memory_space<vmem>> -> memref<100xi32, #tpu.memory_space<vmem>>
      %dma_wait3A_297 = arith.constant 0 : i32
      %dma_wait3A_298 = arith.constant 0 : i32
      %dma_wait3A_299 = tpu.memref_slice %arg3[%dma_wait3A_297, %dma_wait3A_298] : memref<100000x64xf32, #tpu.memory_space<hbm>> -> memref<100000x64xf32, #tpu.memory_space<hbm>>
      tpu.wait_indirect_dma semaphore(%arg13 : memref<!tpu.dma_semaphore, #tpu.memory_space<semaphore_mem>>) src(%dma_wait3A_299 : memref<100000x64xf32, #tpu.memory_space<hbm>>) dst(%dma_wait3A_293 : memref<100x64xf32, #tpu.memory_space<vmem>>)
      %dma_wait3A_300 = arith.constant 2 : i32
      %dma_wait3A_301 = arith.constant 200 : i32
      %dma_wait3A_302 = arith.constant 0 : i32
      %dma_wait3A_303 = tpu.memref_slice %arg10[%dma_wait3A_301, %dma_wait3A_302] : memref<400x64xf32, #tpu.memory_space<vmem>> -> memref<100x64xf32, #tpu.memory_space<vmem>>
      %dma_wait3A_304 = arith.constant 0 : i32
      %dma_wait3A_305 = tpu.memref_slice %arg7[%add3A_260, %dma_wait3A_300, %dma_wait3A_304] : memref<64x4x100xi32, #tpu.memory_space<vmem>> -> memref<1x1x100xi32, #tpu.memory_space<vmem>>
      %dma_wait3A_306 = tpu.memref_squeeze %dma_wait3A_305 : memref<1x1x100xi32, #tpu.memory_space<vmem>> -> memref<100xi32, #tpu.memory_space<vmem>>
      %dma_wait3A_307 = arith.constant 0 : i32
      %dma_wait3A_308 = arith.constant 0 : i32
      %dma_wait3A_309 = tpu.memref_slice %arg3[%dma_wait3A_307, %dma_wait3A_308] : memref<100000x64xf32, #tpu.memory_space<hbm>> -> memref<100000x64xf32, #tpu.memory_space<hbm>>
      tpu.wait_indirect_dma semaphore(%arg13 : memref<!tpu.dma_semaphore, #tpu.memory_space<semaphore_mem>>) src(%dma_wait3A_309 : memref<100000x64xf32, #tpu.memory_space<hbm>>) dst(%dma_wait3A_303 : memref<100x64xf32, #tpu.memory_space<vmem>>)
      %dma_wait3A_310 = arith.constant 3 : i32
      %dma_wait3A_311 = arith.constant 300 : i32
      %dma_wait3A_312 = arith.constant 0 : i32
      %dma_wait3A_313 = tpu.memref_slice %arg10[%dma_wait3A_311, %dma_wait3A_312] : memref<400x64xf32, #tpu.memory_space<vmem>> -> memref<100x64xf32, #tpu.memory_space<vmem>>
      %dma_wait3A_314 = arith.constant 0 : i32
      %dma_wait3A_315 = tpu.memref_slice %arg7[%add3A_260, %dma_wait3A_310, %dma_wait3A_314] : memref<64x4x100xi32, #tpu.memory_space<vmem>> -> memref<1x1x100xi32, #tpu.memory_space<vmem>>
      %dma_wait3A_316 = tpu.memref_squeeze %dma_wait3A_315 : memref<1x1x100xi32, #tpu.memory_space<vmem>> -> memref<100xi32, #tpu.memory_space<vmem>>
      %dma_wait3A_317 = arith.constant 0 : i32
      %dma_wait3A_318 = arith.constant 0 : i32
      %dma_wait3A_319 = tpu.memref_slice %arg3[%dma_wait3A_317, %dma_wait3A_318] : memref<100000x64xf32, #tpu.memory_space<hbm>> -> memref<100000x64xf32, #tpu.memory_space<hbm>>
      tpu.wait_indirect_dma semaphore(%arg13 : memref<!tpu.dma_semaphore, #tpu.memory_space<semaphore_mem>>) src(%dma_wait3A_319 : memref<100000x64xf32, #tpu.memory_space<hbm>>) dst(%dma_wait3A_313 : memref<100x64xf32, #tpu.memory_space<vmem>>)
      %mul3A_320 = arith.constant 400 : i32
      %mul3A_321 = arith.muli %add3A_260, %mul3A_320 : i32
      %add3A_322 = arith.addi %mul3A_4, %mul3A_321 : i32
      %dma_start3A_323 = arith.constant 0 : i32
      %dma_start3A_324 = tpu.memref_slice %arg5[%add3A_322, %dma_start3A_323] : memref<819200x64xf32, #tpu.memory_space<hbm>> -> memref<400x64xf32, #tpu.memory_space<hbm>>
      %dma_start3A_325 = arith.constant 0 : i32
      %dma_start3A_326 = tpu.memref_slice %arg5[%add3A_322, %dma_start3A_325] : memref<819200x64xf32, #tpu.memory_space<hbm>> -> memref<400x64xf32, #tpu.memory_space<hbm>>
      tpu.enqueue_dma source(%arg10 : memref<400x64xf32, #tpu.memory_space<vmem>>) target(%dma_start3A_326 : memref<400x64xf32, #tpu.memory_space<hbm>>) target_semaphore(%arg16 : memref<!tpu.dma_semaphore, #tpu.memory_space<semaphore_mem>>)
    }
    %scan3A_56 = arith.constant 21 : i32
    %add3A_57 = arith.constant 24800 : i32
    %add3A_58 = arith.addi %mul3A_4, %add3A_57 : i32
    %dma_wait3A = arith.constant 0 : i32
    %dma_wait3A_59 = tpu.memref_slice %arg5[%add3A_58, %dma_wait3A] : memref<819200x64xf32, #tpu.memory_space<hbm>> -> memref<400x64xf32, #tpu.memory_space<hbm>>
    %dma_wait3A_60 = arith.constant 0 : i32
    %dma_wait3A_61 = tpu.memref_slice %arg5[%add3A_58, %dma_wait3A_60] : memref<819200x64xf32, #tpu.memory_space<hbm>> -> memref<400x64xf32, #tpu.memory_space<hbm>>
    tpu.wait_dma2 semaphore(%arg16 : memref<!tpu.dma_semaphore, #tpu.memory_space<semaphore_mem>>) src(%arg10 : memref<400x64xf32, #tpu.memory_space<vmem>>) dst(%dma_wait3A_61 : memref<400x64xf32, #tpu.memory_space<hbm>>)
    %dma_wait3A_62 = arith.constant 63 : i32
    %dma_wait3A_63 = arith.constant 0 : i32
    %dma_wait3A_64 = arith.constant 0 : i32
    %dma_wait3A_65 = arith.constant 0 : i32
    %dma_wait3A_66 = tpu.memref_slice %arg8[%dma_wait3A_64, %dma_wait3A_65] : memref<400x64xf32, #tpu.memory_space<vmem>> -> memref<100x64xf32, #tpu.memory_space<vmem>>
    %dma_wait3A_67 = arith.constant 0 : i32
    %dma_wait3A_68 = tpu.memref_slice %arg7[%dma_wait3A_62, %dma_wait3A_63, %dma_wait3A_67] : memref<64x4x100xi32, #tpu.memory_space<vmem>> -> memref<1x1x100xi32, #tpu.memory_space<vmem>>
    %dma_wait3A_69 = tpu.memref_squeeze %dma_wait3A_68 : memref<1x1x100xi32, #tpu.memory_space<vmem>> -> memref<100xi32, #tpu.memory_space<vmem>>
    %dma_wait3A_70 = arith.constant 0 : i32
    %dma_wait3A_71 = arith.constant 0 : i32
    %dma_wait3A_72 = tpu.memref_slice %arg3[%dma_wait3A_70, %dma_wait3A_71] : memref<100000x64xf32, #tpu.memory_space<hbm>> -> memref<100000x64xf32, #tpu.memory_space<hbm>>
    tpu.wait_indirect_dma semaphore(%arg11 : memref<!tpu.dma_semaphore, #tpu.memory_space<semaphore_mem>>) src(%dma_wait3A_72 : memref<100000x64xf32, #tpu.memory_space<hbm>>) dst(%dma_wait3A_66 : memref<100x64xf32, #tpu.memory_space<vmem>>)
    %dma_wait3A_73 = arith.constant 63 : i32
    %dma_wait3A_74 = arith.constant 1 : i32
    %dma_wait3A_75 = arith.constant 100 : i32
    %dma_wait3A_76 = arith.constant 0 : i32
    %dma_wait3A_77 = tpu.memref_slice %arg8[%dma_wait3A_75, %dma_wait3A_76] : memref<400x64xf32, #tpu.memory_space<vmem>> -> memref<100x64xf32, #tpu.memory_space<vmem>>
    %dma_wait3A_78 = arith.constant 0 : i32
    %dma_wait3A_79 = tpu.memref_slice %arg7[%dma_wait3A_73, %dma_wait3A_74, %dma_wait3A_78] : memref<64x4x100xi32, #tpu.memory_space<vmem>> -> memref<1x1x100xi32, #tpu.memory_space<vmem>>
    %dma_wait3A_80 = tpu.memref_squeeze %dma_wait3A_79 : memref<1x1x100xi32, #tpu.memory_space<vmem>> -> memref<100xi32, #tpu.memory_space<vmem>>
    %dma_wait3A_81 = arith.constant 0 : i32
    %dma_wait3A_82 = arith.constant 0 : i32
    %dma_wait3A_83 = tpu.memref_slice %arg3[%dma_wait3A_81, %dma_wait3A_82] : memref<100000x64xf32, #tpu.memory_space<hbm>> -> memref<100000x64xf32, #tpu.memory_space<hbm>>
    tpu.wait_indirect_dma semaphore(%arg11 : memref<!tpu.dma_semaphore, #tpu.memory_space<semaphore_mem>>) src(%dma_wait3A_83 : memref<100000x64xf32, #tpu.memory_space<hbm>>) dst(%dma_wait3A_77 : memref<100x64xf32, #tpu.memory_space<vmem>>)
    %dma_wait3A_84 = arith.constant 63 : i32
    %dma_wait3A_85 = arith.constant 2 : i32
    %dma_wait3A_86 = arith.constant 200 : i32
    %dma_wait3A_87 = arith.constant 0 : i32
    %dma_wait3A_88 = tpu.memref_slice %arg8[%dma_wait3A_86, %dma_wait3A_87] : memref<400x64xf32, #tpu.memory_space<vmem>> -> memref<100x64xf32, #tpu.memory_space<vmem>>
    %dma_wait3A_89 = arith.constant 0 : i32
    %dma_wait3A_90 = tpu.memref_slice %arg7[%dma_wait3A_84, %dma_wait3A_85, %dma_wait3A_89] : memref<64x4x100xi32, #tpu.memory_space<vmem>> -> memref<1x1x100xi32, #tpu.memory_space<vmem>>
    %dma_wait3A_91 = tpu.memref_squeeze %dma_wait3A_90 : memref<1x1x100xi32, #tpu.memory_space<vmem>> -> memref<100xi32, #tpu.memory_space<vmem>>
    %dma_wait3A_92 = arith.constant 0 : i32
    %dma_wait3A_93 = arith.constant 0 : i32
    %dma_wait3A_94 = tpu.memref_slice %arg3[%dma_wait3A_92, %dma_wait3A_93] : memref<100000x64xf32, #tpu.memory_space<hbm>> -> memref<100000x64xf32, #tpu.memory_space<hbm>>
    tpu.wait_indirect_dma semaphore(%arg11 : memref<!tpu.dma_semaphore, #tpu.memory_space<semaphore_mem>>) src(%dma_wait3A_94 : memref<100000x64xf32, #tpu.memory_space<hbm>>) dst(%dma_wait3A_88 : memref<100x64xf32, #tpu.memory_space<vmem>>)
    %dma_wait3A_95 = arith.constant 63 : i32
    %dma_wait3A_96 = arith.constant 3 : i32
    %dma_wait3A_97 = arith.constant 300 : i32
    %dma_wait3A_98 = arith.constant 0 : i32
    %dma_wait3A_99 = tpu.memref_slice %arg8[%dma_wait3A_97, %dma_wait3A_98] : memref<400x64xf32, #tpu.memory_space<vmem>> -> memref<100x64xf32, #tpu.memory_space<vmem>>
    %dma_wait3A_100 = arith.constant 0 : i32
    %dma_wait3A_101 = tpu.memref_slice %arg7[%dma_wait3A_95, %dma_wait3A_96, %dma_wait3A_100] : memref<64x4x100xi32, #tpu.memory_space<vmem>> -> memref<1x1x100xi32, #tpu.memory_space<vmem>>
    %dma_wait3A_102 = tpu.memref_squeeze %dma_wait3A_101 : memref<1x1x100xi32, #tpu.memory_space<vmem>> -> memref<100xi32, #tpu.memory_space<vmem>>
    %dma_wait3A_103 = arith.constant 0 : i32
    %dma_wait3A_104 = arith.constant 0 : i32
    %dma_wait3A_105 = tpu.memref_slice %arg3[%dma_wait3A_103, %dma_wait3A_104] : memref<100000x64xf32, #tpu.memory_space<hbm>> -> memref<100000x64xf32, #tpu.memory_space<hbm>>
    tpu.wait_indirect_dma semaphore(%arg11 : memref<!tpu.dma_semaphore, #tpu.memory_space<semaphore_mem>>) src(%dma_wait3A_105 : memref<100000x64xf32, #tpu.memory_space<hbm>>) dst(%dma_wait3A_99 : memref<100x64xf32, #tpu.memory_space<vmem>>)
    %add3A_106 = arith.constant 25200 : i32
    %add3A_107 = arith.addi %mul3A_4, %add3A_106 : i32
    %dma_start3A_108 = arith.constant 0 : i32
    %dma_start3A_109 = tpu.memref_slice %arg5[%add3A_107, %dma_start3A_108] : memref<819200x64xf32, #tpu.memory_space<hbm>> -> memref<400x64xf32, #tpu.memory_space<hbm>>
    %dma_start3A_110 = arith.constant 0 : i32
    %dma_start3A_111 = tpu.memref_slice %arg5[%add3A_107, %dma_start3A_110] : memref<819200x64xf32, #tpu.memory_space<hbm>> -> memref<400x64xf32, #tpu.memory_space<hbm>>
    tpu.enqueue_dma source(%arg8 : memref<400x64xf32, #tpu.memory_space<vmem>>) target(%dma_start3A_111 : memref<400x64xf32, #tpu.memory_space<hbm>>) target_semaphore(%arg14 : memref<!tpu.dma_semaphore, #tpu.memory_space<semaphore_mem>>)
    %add3A_112 = arith.constant 25200 : i32
    %add3A_113 = arith.addi %mul3A_4, %add3A_112 : i32
    %dma_wait3A_114 = arith.constant 0 : i32
    %dma_wait3A_115 = tpu.memref_slice %arg5[%add3A_113, %dma_wait3A_114] : memref<819200x64xf32, #tpu.memory_space<hbm>> -> memref<400x64xf32, #tpu.memory_space<hbm>>
    %dma_wait3A_116 = arith.constant 0 : i32
    %dma_wait3A_117 = tpu.memref_slice %arg5[%add3A_113, %dma_wait3A_116] : memref<819200x64xf32, #tpu.memory_space<hbm>> -> memref<400x64xf32, #tpu.memory_space<hbm>>
    tpu.wait_dma2 semaphore(%arg14 : memref<!tpu.dma_semaphore, #tpu.memory_space<semaphore_mem>>) src(%arg8 : memref<400x64xf32, #tpu.memory_space<vmem>>) dst(%dma_wait3A_117 : memref<400x64xf32, #tpu.memory_space<hbm>>)
    return
  }
}

</mosaic_0001>

<sc_bundles>
// kernel: kernel.3.cloned.1.call-start
scs
__scs_entry_jumppad:
0x0: {  	(pc) =	sbr.rel $0x88, $3  }
0x1: {  	(tag) =	ssettag $0x0;
	lr =	simm.s32 $0x1  }
0x2: {  	[smem:$0x3F9E] =	sst lr;
	_ =	strace $0xD0000000  }
0x3: {  	_ = 	snop  }
0x4: {  	_ = 	snop  }
0x5: {  	_ = 	snop  }
0x6: {  	_ = 	snop  }
0x7: {  	_ = 	snop  }
__scs_overlays_trampoline_lowered:
0x8: {  	[smem:$0x3FAD] =	sst s0  }
0x9: {  	[smem:$0x3FAE] =	sst s1  }
0xa: {  	[smem:$0x3FAF] =	sst s2  }
0xb: {  	[smem:$0x3FB0] =	sst s3  }
0xc: {  	[smem:$0x3FB1] =	sst s4  }
0xd: {  	[smem:$0x3FB2] =	sst s5  }
0xe: {  	[smem:$0x3FB3] =	sst s6  }
0xf: {  	[smem:$0x3FB4] =	sst s7  }
0x10: {  	[smem:$0x3FB5] =	sst s8  }
0x11: {  	[smem:$0x3FB6] =	sst s9;
	s0 =	simm.s32 @!p0 $0x0  }
0x12: {  	s1 =	sld [smem:$0x3F9C];
	s0 =	simm.s32 @p0 $0x1  }
0x13: {  	[smem:$0x3FB7] =	sst s0;
	s0 =	simm.s32 @!p1 $0x0  }
0x14: {  	s2 =	sld [smem:$0x3F9B];
	s0 =	simm.s32 @p1 $0x1  }
0x15: {  	[smem:$0x3FB8] =	sst s0;
	s0 =	simm.s32 @!p2 $0x0  }
0x16: {  	s3 =	sld [smem:$0x3FDB];
	s0 =	simm.s32 @p2 $0x1  }
0x17: {  	s4 =	simm.s32 $0x1BF5;
	[smem:$0x3FBA] =	sst s0  }
0x18: {  	s0 =	sld [smem:$0x3F9D];
	_ =	swait.ge [sflag:s4], $0x0  }
0x19: {  	s7 =	sld [smem:$0x3F9E]  }
0x1a: {  	s8 =	sadd.s32 $0xFFFFE003, lr  }
0x1b: {  	s9 =	sadd.s32 $0xFFFFFEF7, lr;
	s5 =	simm.s32 $0xFFFFFFFF;
	p2 =	slt.u32 s8, $0xFFFFF086  }
0x1c: {  	p1 =	slt.u32 s9, $0xF7A;
	s5 =	simm.s32 @!p2 $0x0  }
0x1d: {  	s5 =	simm.s32 @p1 $0x1;
	p0 =	seq.s32 s7, s2  }
0x1e: {  	s7 =	smul.u32 @!p0 $0xF7A, s2;
	p2 =	seq.s32 @!p0 s5, $0x0  }
0x1f: {  	s9 =	smul.u32 $0xF7A, s1;
	s8 =	simm.s32 @!p0 $0x1BF5;
	p2 =	por !p2, p0  }
0x20: {  	[sflag:s8] =	ssyncset.s32 @!p0 $0xFFFFF086;
	s6 =	sadd.s32 @!p0 s3, s7;
	s7 =	simm.s32 @!p0 $0x108  }
0x21: {  	s3 =	sadd.s32 s3, s9;
	s6 =	sadd.s32 @!p0 $0x88, s6;
	s7 =	simm.s32 @p2 $0x1082  }
0x22: {  	[simem:s7], [sflag:s8] =	dma.local @!p0 [hbm:s6], $0xF7A  }
0x23: {  	s9 =	sor.u32 $0xD0000000, s2;
	s6 =	simm.s32 $0x108;
	_ =	swait.ge @!p0 [sflag:s8], $0x0  }
0x24: {  	s3 =	sadd.s32 $0x88, s3;
	s6 =	simm.s32 @!p1 $0x1082;
	[sflag:s4] =	ssyncset.s32 $0xFFFFF086  }
0x25: {  	[simem:s6], [sflag:s4] =	dma.local [hbm:s3], $0xF7A  }
0x26: {  	[smem:$0x3F9E] =	sst s1;
	(tag) =	ssettag s2;
	_ =	strace s9  }
0x27: {  	s1 =	sld [smem:$0x3FAE]  }
0x28: {  	s2 =	sld [smem:$0x3FAF]  }
0x29: {  	s4 =	sld [smem:$0x3FB1]  }
0x2a: {  	p0 =	seq.s32 s5, $0x0;
	s5 =	sld [smem:$0x3FB2]  }
0x2b: {  	s6 =	sld [smem:$0x3FB3]  }
0x2c: {  	s7 =	sld [smem:$0x3FB4]  }
0x2d: {  	s3 =	simm.s32 $0x108;
	s8 =	sld [smem:$0x3FB5]  }
0x2e: {  	s3 =	simm.s32 @!p0 $0x1082;
	s9 =	sld [smem:$0x3FB6]  }
0x2f: {  	lr =	sadd.s32 s0, s3;
	s0 =	sld [smem:$0x3FAD]  }
0x30: {  	s3 =	sld [smem:$0x3FB0]  }
0x31: {  	[smem:$0x3FB9] =	sst s10  }
0x32: {  	s10 =	sld [smem:$0x3FB7];
	_ =	sdelay $0x3  }
0x33: {  	p0 =	seq.s32 s10, $0x1;
	s10 =	sld [smem:$0x3FB9];
	_ =	sdelay $0x3  }
0x34: {  	[smem:$0x3FB9] =	sst s10  }
0x35: {  	s10 =	sld [smem:$0x3FB8];
	_ =	sdelay $0x3  }
0x36: {  	p1 =	seq.s32 s10, $0x1;
	s10 =	sld [smem:$0x3FB9];
	_ =	sdelay $0x3  }
0x37: {  	[smem:$0x3FB9] =	sst s10  }
0x38: {  	s10 =	sld [smem:$0x3FBA]  }
0x39: {  	_ = 	snop;
	(pc) =	sbr.ind lr, $3  }
0x3a: {  	_ = 	snop  }
0x3b: {  	_ = 	snop  }
0x3c: {  	p2 =	seq.s32 s10, $0x1;
	s10 =	sld [smem:$0x3FB9]  }
0x3d: {  	_ =	shalt  }
0x3e: {  	_ =	shalt  }
0x3f: {  	_ =	shalt  }
0x40: {  	_ =	shalt  }
0x41: {  	_ =	shalt  }
0x42: {  	_ =	shalt  }
0x43: {  	_ =	shalt  }
0x44: {  	_ =	shalt  }
0x45: {  	_ =	shalt  }
0x46: {  	_ =	shalt  }
0x47: {  	_ =	shalt  }
0x48: {  	_ =	shalt  }
0x49: {  	_ =	shalt  }
0x4a: {  	_ =	shalt  }
0x4b: {  	_ =	shalt  }
0x4c: {  	_ =	shalt  }
0x4d: {  	_ =	shalt  }
0x4e: {  	_ =	shalt  }
0x4f: {  	_ =	shalt  }
0x50: {  	_ =	shalt  }
0x51: {  	_ =	shalt  }
0x52: {  	_ =	shalt  }
0x53: {  	_ =	shalt  }
0x54: {  	_ =	shalt  }
0x55: {  	_ =	shalt  }
0x56: {  	_ =	shalt  }
0x57: {  	_ =	shalt  }
0x58: {  	_ =	shalt  }
0x59: {  	_ =	shalt  }
0x5a: {  	_ =	shalt  }
0x5b: {  	_ =	shalt  }
0x5c: {  	_ =	shalt  }
0x5d: {  	_ =	shalt  }
0x5e: {  	_ =	shalt  }
0x5f: {  	_ =	shalt  }
0x60: {  	_ =	shalt  }
0x61: {  	_ =	shalt  }
0x62: {  	_ =	shalt  }
0x63: {  	_ =	shalt  }
0x64: {  	_ =	shalt  }
0x65: {  	_ =	shalt  }
0x66: {  	_ =	shalt  }
0x67: {  	_ =	shalt  }
0x68: {  	_ =	shalt  }
0x69: {  	_ =	shalt  }
0x6a: {  	_ =	shalt  }
0x6b: {  	_ =	shalt  }
0x6c: {  	_ =	shalt  }
0x6d: {  	_ =	shalt  }
0x6e: {  	_ =	shalt  }
0x6f: {  	_ =	shalt  }
0x70: {  	_ =	shalt  }
0x71: {  	_ =	shalt  }
0x72: {  	_ =	shalt  }
0x73: {  	_ =	shalt  }
0x74: {  	_ =	shalt  }
0x75: {  	_ =	shalt  }
0x76: {  	_ =	shalt  }
0x77: {  	_ =	shalt  }
0x78: {  	_ =	shalt  }
0x79: {  	_ =	shalt  }
0x7a: {  	_ =	shalt  }
0x7b: {  	_ =	shalt  }
0x7c: {  	_ =	shalt  }
0x7d: {  	_ =	shalt  }
0x7e: {  	_ =	shalt  }
0x7f: {  	_ =	shalt  }
0x80: {  	_ =	shalt  }
0x81: {  	_ =	shalt  }
0x82: {  	_ =	shalt  }
0x83: {  	_ =	shalt  }
0x84: {  	_ =	shalt  }
0x85: {  	_ =	shalt  }
0x86: {  	_ =	shalt  }
0x87: {  	_ =	shalt  }
.Lfunc_end0:
.L_simem_size_0:
called_computation.1_lowered:
.L_overlay_start_0:
0x88: {  	s2 =	sld [smem:$0x3FD9]  }
0x89: {  	s3 =	sld [smem:$0x3FFE];
	_ =	sdelay $0x1  }
0x8a: {  	s1 =	srdreg.scid  }
0x8b: {  	s0 =	sand.u32 $0x1, s1  }
0x8c: {  	s17 =	sshll.u32 s0, $0xA;
	s2 =	sadd.s32 s3, s2  }
0x8d: {  	s2 =	sadd.s32 s2, s17  }
0x8e: {  	[smem:$0x3FC5] =	sst s2  }
0x8f: {  	_ = 	snop  }
0x90: {  	s2 =	sld [smem:$0x3FD0];
	(tm) =	ssettm $0x1  }
0x91: {  	s18 =	sld [smem:$0x3FFB];
	_ =	sdelay $0x3  }
0x92: {  	_ =	strace s18  }
0x93: {  	s3 =	sld [smem:$0x3FFC];
	_ =	sdelay $0x3  }
0x94: {  	_ =	strace s3  }
0x95: {  	s3 =	sld [smem:$0x3FFD];
	_ =	sdelay $0x3  }
0x96: {  	_ =	strace s3  }
0x97: {  	_ =	strace $0x8FFFFFFF  }
0x98: {  	s19 =	sld [smem:$0x3FDB];
	_ =	sdelay $0x1  }
0x99: {  	s4 =	simm.s32 $_scs_section_size  }
0x9a: {  	s5 =	simm.s32 $_size__tile_overlayer_lowered;
	s6 =	simm.s32 $_tile_overlayer_lowered  }
0x9b: {  	s22 =	simm.s32 $0x1BFF;
	s21 =	sshll.u32 s6, $0x1;
	s3 =	sadd.s32 s4, s19  }
0x9c: {  	s7 =	simm.s32 $0x0;
	s20 =	sshll.u32 s5, $0x1;
	s5 =	sadd.s32 s21, s3  }
0x9d: {  	[timem:s7], [sflag:s22] =	dma.local [hbm:s5], s20  }
0x9e: {  	_ =	swait.ge [sflag:s22], s20  }
0x9f: {  	s4 =	ssub.s32 $0x0, s20;
	[sflag:s22] =	ssyncset.done $0x0  }
0xa0: {  	[sflag:s22] =	ssyncadd.s32 s4;
	_ =	sdelay $0x1  }
0xa1: {  	s23 =	simm.s32 $0x1B8B  }
0xa2: {  	_ =	swait.ge [sflag:s23], $0x1  }
0xa3: {  	[sflag:s23] =	ssyncset.done $0x0  }
0xa4: {  	s25 =	simm.s32 $0x1B8E;
	s24 =	sld [smem:$0x3FFE];
	[sflag:s23] =	ssyncadd.s32 $0xFFFFFFFF  }
0xa5: {  	s26 =	simm.s32 $execute0_lowered;
	[smem:$0x3FD2] =	sst s25  }
0xa6: {  	s5 =	sshll.u32 s26, $0x1;
	_ =	strace $0x80000046;
	[dreg:$0x1] =	wrdreg $0xFFFFFFFF  }
0xa7: {  	s28 =	simm.s32 $_size_execute0_lowered;
	s3 =	sadd.s32 s3, s5;
	[dreg:$0x0] =	wrdreg $0x0  }
0xa8: {  	s5 =	sshll.u32 s28, $0x1;
	[dreg:$0x2] =	wrdreg s3  }
0xa9: {  	[dreg:$0x3] =	wrdreg s5  }
0xaa: {  	[dreg:$0x4] =	wrdreg $0xC0  }
0xab: {  	_ =	task [dreg:s7], $0x5FFFF  }
0xac: {  	[dreg:$0x1] =	wrdreg $0xFFFFFFFF  }
0xad: {  	[dreg:$0x0] =	wrdreg $0x60  }
0xae: {  	[dreg:$0x2] =	wrdreg s24  }
0xaf: {  	[dreg:$0x3] =	wrdreg s2  }
0xb0: {  	[dreg:$0x4] =	wrdreg $0x0  }
0xb1: {  	[dreg:$0x5] =	wrdreg $0x9  }
0xb2: {  	_ =	task.clear_ibuf [dreg:s7], $0x6FFFF;
	_ =	strace $0x90000046  }
0xb3: {  	s29 =	simm.s32 $0x9;
	_ =	strace $0x80000048  }
0xb4: {  	_ =	swait.ge [sflag:s29], $0x1  }
0xb5: {  	[sflag:s29] =	ssyncadd.s32 $0xFFFFFFFF  }
0xb6: {  	_ =	strace $0x90000048  }
0xb7: {  	_ =	sfence  }
0xb8: {  	s30 =	sld [smem:$0x0];
	_ =	sdelay $0x2  }
0xb9: {  	s31 =	sshll.u32 s1, $0xD;
	s1 =	sshrl.u32 s1, $0x2  }
0xba: {  	s3 =	sand.u32 $0x4000, s31;
	s1 =	sadd.s32 s1, s30  }
0xbb: {  	s0 =	sor.u32 s3, s0;
	s1 =	sshll.u32 s1, $0x11  }
0xbc: {  	s0 =	sor.u32 s1, s0  }
0xbd: {  	s0 =	sadd.s32 $0x8F2B, s0  }
0xbe: {  	[sflag:s0] =	ssyncadd.remote.s32 $0x1  }
0xbf: {  	_ =	sfence.sel $0xFFFF  }
0xc0: {  	[dreg:$0x0] =	wrdreg $0xFFFFFFFF;
	(pc) =	sbr.abs _section_cstart, $3  }
0xc1: {  	[dreg:$0x1] =	wrdreg $0xFFFFFFFF  }
0xc2: {  	_ =	task.clear_ibuf [dreg:s7], $0x2FFFF;
	_ =	strace $0x9FFFFFFF  }
0xc3: {  	(tm) =	ssettm $0x7FFFFFFF  }
tec
execute0_lowered:
.L_overlay_start_1:
0x0: {  	(tag) =	ssettag $0x1  }
0x1: {  	s0 =	rddreg [dreg:$0x0]  }
0x2: {  	s1 =	srdreg.scid;
	s5 =	stileid.u32  }
0x3: {  	s6 =	rddreg [dreg:$0x1];
	s21 =	simm.s32 $0xEB40;
	s22 =	simm.s32 $0x10440  }
0x4: {  	s23 =	simm.s32 $0x11D40;
	s24 =	simm.s32 $0x14F40;
	s28 =	simm.s32 $0x1  }
0x5: {  	s29 =	simm.s32 $0x4;
	s30 =	simm.s32 $0x9;
	s11 =	smul.u32 $0xC800, s5  }
0x6: {  	s31 =	simm.s32 $0x2;
	s7 =	sand.u32 $0x1, s1;
	s15 =	smul.u32 $0x64000, s5  }
0x7: {  	s2 =	sshll.u32 s5, $0x1;
	s1 =	rddreg [dreg:$0x2];
	s26 =	smul.u32 $0x6400, s7  }
0x8: {  	s4 =	sor.u32 s7, s2;
	s9 =	ssub.s32 $0x2, s7;
	s7 =	smul.u32 $0x32000, s7  }
0x9: {  	p0 =	sne.s32 s5, $0x0;
	s2 =	simm.s32 $0x0;
	s3 =	smul.u32 $0xD00, s4  }
0xa: {  	s13 =	sadd.s32 $0x3200, s1;
	[smem:$0x7FF] =	sst s2;
	s10 =	smul.u32 $0x190000, s4  }
0xb: {  	s25 =	sshrl.u32 s9, $0x1;
	_ =	strace $0x80000047;
	[dreg:$0x4] =	wrdreg s21  }
0xc: {  	s17 =	sadd.s32 s15, s6;
	s15 =	simm.s32 $0x6E40;
	[dreg:$0x5] =	wrdreg s22  }
0xd: {  	s18 =	sadd.s32 s7, s17;
	s17 =	simm.s32 $0x7;
	[dreg:$0x6] =	wrdreg s23  }
0xe: {  	s22 =	simm.s32 $0xA040;
	[dreg:$0x7] =	wrdreg s24;
	s24 =	simm.s32 $0xB940  }
0xf: {  	s23 =	simm.s32 $0x0;
	s8 =	sadd.s32 s3, s0;
	s3 =	sadd.s32 $0x1B200, s0  }
0x10: {  	s0 =	sadd.s32 $0xA00, s0;
	s14 =	sshrl.u32 s10, $0x3;
	[dreg:$0xe] =	wrdreg s18  }
0x11: {  	[dreg:$0xa] =	wrdreg s0;
	s0 =	ssub.s32 s9, s25;
	s12 =	sadd.s32 $0x1200, s8  }
0x12: {  	s8 =	sadd.s32 s6, s14;
	s25 =	simm.s32 $0x16840;
	[dreg:$0xb] =	wrdreg s12  }
0x13: {  	s9 =	sadd.s32 s26, s11;
	s26 =	simm.s32 $0x18140;
	[dreg:$0x8] =	wrdreg s25  }
0x14: {  	s18 =	simm.s32 $0x64;
	s16 =	sadd.s32 $0x31380, s8;
	[dreg:$0x9] =	wrdreg s26  }
0x15: {  	s9 =	sshll.u32 s9, $0x3;
	s0 =	smax.u32 s0, $0x1;
	[dreg:$0xc] =	wrdreg s16  }
0x16: {  	s25 =	simm.s32 $0x13640;
	s26 =	simm.s32 $0x8;
	[dreg:$0xd] =	wrdreg s0  }
0x17: {  	s19 =	sadd.s32 s9, s6;
	s0 =	sshrl.u32 @!p0 s1, $0x3;
	s16 =	simm.s32 $0xD240  }
0x18: {  	s20 =	sadd.s32 $0xC80, s19;
	s12 =	sadd.s32 $0x1900, s19;
	[dreg:$0x10] =	wrdreg s0  }
0x19: {  	s0 =	sshrl.u32 @!p0 s13, $0x3;
	s19 =	simm.s32 $0x3;
	[dreg:$0xf] =	wrdreg s20  }
0x1a: {  	[dreg:$0x11] =	wrdreg s0;
	s20 =	simm.s32 $0x8740;
	s0 =	simm.s32 $0x5  }
.LBB2_1:
0x1b: {  	s4 =	rddreg [dreg:$0xa]  }
0x1c: {  	s5 =	simm.s32 @!p0 $0x1C0A;
	s6 =	rddreg [dreg:$0x10]  }
0x1d: {  	[spmem:s6], [sflag:s5] =	dma.local @!p0 [hbm:s4], $0x640  }
0x1e: {  	s6 =	simm.s32 @!p0 $0xA  }
0x1f: {  	_ =	swait.ge @!p0 [sflag:s6], $0x640  }
0x20: {  	[sflag:s6] =	ssyncset.done @!p0 $0x0  }
0x21: {  	s7 =	rddreg [dreg:$0x11];
	[sflag:s6] =	ssyncadd.s32 @!p0 $0xFFFFF9C0  }
0x22: {  	[spmem:s7], [sflag:s5] =	dma.local @!p0 [hbm:s4], $0x640  }
0x23: {  	_ =	swait.ge @!p0 [sflag:s6], $0x640  }
0x24: {  	[sflag:s6] =	ssyncset.done @!p0 $0x0  }
0x25: {  	[sflag:s6] =	ssyncadd.s32 @!p0 $0xFFFFF9C0  }
0x26: {  	[bflag:$0x0] =	sbarrier.arrive $0xFFFF  }
0x27: {  	s8 =	simm.s32 $0xA;
	s7 =	simm.s32 $0x640;
	s6 =	rddreg [dreg:$0xb]  }
0x28: {  	[tilespmem:s7], [sflag:$0xA] =	stream.linear.gather [hbm4b:s6+s2], $0x6800, $0x38;
	[tilespmem:$0x19A40] =	vst v63  }
0x29: {  	_ =	swait.ge [sflag:s8], $0x6800  }
0x2a: {  	[sflag:s8] =	ssyncset.done $0x0  }
0x2b: {  	[sflag:s8] =	ssyncadd.s32 $0xFFFF9800  }
0x2c: {  	[tilespmem:s15], [sflag:$0x7] =	stream.linear.gather [spmem:s1], $0x6400, $0x38;
	[tilespmem:$0x19A40] =	vst v63  }
0x2d: {  	_ = 	snop  }
0x2e: {  	[tilespmem:s16], [sflag:$0x8] =	stream.linear.gather [spmem:s1], $0x6400, $0x38;
	[tilespmem:$0x19A40] =	vst v63  }
0x2f: {  	_ =	swait.ge [sflag:s17], $0x6400  }
0x30: {  	[sflag:s17] =	ssyncset.done $0x0  }
0x31: {  	[sflag:s17] =	ssyncadd.s32 $0xFFFF9C00  }
0x32: {  	[tilespmem:s15], [sflag:$0x1] =	stream.indirect.gather.add.f32 [hbm:s3], $0x40, s7, s18, $0xb8;
	[tilespmem:$0x19A40] =	vst v63  }
0x33: {  	s9 =	simm.s32 $0x6A8  }
0x34: {  	[tilespmem:s20], [sflag:$0x1] =	stream.indirect.gather.add.f32 [hbm:s3], $0x40, s9, s18, $0xb8;
	[tilespmem:$0x19A40] =	vst v63  }
0x35: {  	s10 =	simm.s32 $0x710;
	p1 =	por $0x1, $0x1  }
0x36: {  	[tilespmem:s22], [sflag:$0x1] =	stream.indirect.gather.add.f32 [hbm:s3], $0x40, s10, s18, $0xb8;
	[tilespmem:$0x19A40] =	vst v63  }
0x37: {  	s11 =	simm.s32 $0x778;
	s5 =	simm.s32 @!p1 $0x6  }
0x38: {  	[tilespmem:s24], [sflag:$0x1] =	stream.indirect.gather.add.f32 [hbm:s3], $0x40, s11, s18, $0xb8;
	[tilespmem:$0x19A40] =	vst v63  }
0x39: {  	_ =	swait.ge @!p1 [sflag:s5], $0x6400  }
0x3a: {  	[sflag:s5] =	ssyncset.done @!p1 $0x0  }
0x3b: {  	[sflag:s5] =	ssyncadd.s32 @!p1 $0xFFFF9C00  }
0x3c: {  	[tilespmem:s25], [sflag:$0x9] =	stream.linear.gather [spmem:s1], $0x6400, $0x38;
	[tilespmem:$0x19A40] =	vst v63  }
0x3d: {  	_ =	swait.ge [sflag:s26], $0x6400  }
0x3e: {  	[sflag:s26] =	ssyncset.done $0x0  }
0x3f: {  	s13 =	simm.s32 $0x7E0;
	[sflag:s26] =	ssyncadd.s32 $0xFFFF9C00  }
0x40: {  	[tilespmem:s16], [sflag:$0x2] =	stream.indirect.gather.add.f32 [hbm:s3], $0x40, s13, s18, $0xb8;
	[tilespmem:$0x19A40] =	vst v63  }
0x41: {  	s21 =	simm.s32 $0x848;
	s14 =	rddreg [dreg:$0x4]  }
0x42: {  	[tilespmem:s14], [sflag:$0x2] =	stream.indirect.gather.add.f32 [hbm:s3], $0x40, s21, s18, $0xb8;
	[tilespmem:$0x19A40] =	vst v63  }
0x43: {  	s8 =	simm.s32 $0x8B0;
	s4 =	rddreg [dreg:$0x5]  }
0x44: {  	[tilespmem:s4], [sflag:$0x2] =	stream.indirect.gather.add.f32 [hbm:s3], $0x40, s8, s18, $0xb8;
	[tilespmem:$0x19A40] =	vst v63  }
0x45: {  	s10 =	simm.s32 $0x918;
	s9 =	rddreg [dreg:$0x6]  }
0x46: {  	[tilespmem:s9], [sflag:$0x2] =	stream.indirect.gather.add.f32 [hbm:s3], $0x40, s10, s18, $0xb8;
	[tilespmem:$0x19A40] =	vst v63  }
0x47: {  	_ =	swait.ge [sflag:s28], $0x1900  }
0x48: {  	[sflag:s28] =	ssyncset.done $0x0  }
0x49: {  	[sflag:s28] =	ssyncadd.s32 $0xFFFFE700  }
0x4a: {  	_ =	swait.ge [sflag:s28], $0x1900  }
0x4b: {  	[sflag:s28] =	ssyncset.done $0x0  }
0x4c: {  	[sflag:s28] =	ssyncadd.s32 $0xFFFFE700  }
0x4d: {  	_ =	swait.ge [sflag:s28], $0x1900  }
0x4e: {  	[sflag:s28] =	ssyncset.done $0x0  }
0x4f: {  	[sflag:s28] =	ssyncadd.s32 $0xFFFFE700  }
0x50: {  	_ =	swait.ge [sflag:s28], $0x1900  }
0x51: {  	[sflag:s28] =	ssyncset.done $0x0  }
0x52: {  	s4 =	rddreg [dreg:$0xe];
	[sflag:s28] =	ssyncadd.s32 $0xFFFFE700  }
0x53: {  	[hbm4b:s4+s2] =	stream.linear.scatter [tilespmem:s15], [sflag:$0x4], $0x6400, $0x38;
	[tilespmem:$0x19A40] =	vst v63  }
0x54: {  	_ =	swait.ge [sflag:s29], $0x6400  }
0x55: {  	[sflag:s29] =	ssyncset.done $0x0  }
0x56: {  	[sflag:s29] =	ssyncadd.s32 $0xFFFF9C00  }
0x57: {  	[tilespmem:s15], [sflag:$0x7] =	stream.linear.gather [spmem:s1], $0x6400, $0x38;
	[tilespmem:$0x19A40] =	vst v63  }
0x58: {  	_ =	swait.ge [sflag:s30], $0x6400  }
0x59: {  	[sflag:s30] =	ssyncset.done $0x0  }
0x5a: {  	s11 =	simm.s32 $0x980;
	[sflag:s30] =	ssyncadd.s32 $0xFFFF9C00  }
0x5b: {  	[tilespmem:s25], [sflag:$0x3] =	stream.indirect.gather.add.f32 [hbm:s3], $0x40, s11, s18, $0xb8;
	[tilespmem:$0x19A40] =	vst v63  }
0x5c: {  	s14 =	simm.s32 $0x9E8;
	s13 =	rddreg [dreg:$0x7]  }
0x5d: {  	[tilespmem:s13], [sflag:$0x3] =	stream.indirect.gather.add.f32 [hbm:s3], $0x40, s14, s18, $0xb8;
	[tilespmem:$0x19A40] =	vst v63  }
0x5e: {  	s6 =	simm.s32 $0xA50;
	s21 =	rddreg [dreg:$0x8]  }
0x5f: {  	[tilespmem:s21], [sflag:$0x3] =	stream.indirect.gather.add.f32 [hbm:s3], $0x40, s6, s18, $0xb8;
	[tilespmem:$0x19A40] =	vst v63  }
0x60: {  	s9 =	simm.s32 $0xAB8;
	s8 =	rddreg [dreg:$0x9]  }
0x61: {  	[tilespmem:s8], [sflag:$0x3] =	stream.indirect.gather.add.f32 [hbm:s3], $0x40, s9, s18, $0xb8;
	[tilespmem:$0x19A40] =	vst v63  }
0x62: {  	_ =	swait.ge [sflag:s31], $0x1900  }
0x63: {  	[sflag:s31] =	ssyncset.done $0x0  }
0x64: {  	[sflag:s31] =	ssyncadd.s32 $0xFFFFE700  }
0x65: {  	_ =	swait.ge [sflag:s31], $0x1900  }
0x66: {  	[sflag:s31] =	ssyncset.done $0x0  }
0x67: {  	[sflag:s31] =	ssyncadd.s32 $0xFFFFE700  }
0x68: {  	_ =	swait.ge [sflag:s31], $0x1900  }
0x69: {  	[sflag:s31] =	ssyncset.done $0x0  }
0x6a: {  	[sflag:s31] =	ssyncadd.s32 $0xFFFFE700  }
0x6b: {  	_ =	swait.ge [sflag:s31], $0x1900  }
0x6c: {  	[sflag:s31] =	ssyncset.done $0x0  }
0x6d: {  	s10 =	rddreg [dreg:$0xf];
	[sflag:s31] =	ssyncadd.s32 $0xFFFFE700  }
0x6e: {  	[hbm4b:s10+s2] =	stream.linear.scatter [tilespmem:s16], [sflag:$0x5], $0x6400, $0x38;
	[tilespmem:$0x19A40] =	vst v63  }
0x6f: {  	_ =	swait.ge [sflag:s0], $0x6400  }
0x70: {  	p1 =	por $0x0, $0x0;
	[sflag:s0] =	ssyncset.done $0x0  }
0x71: {  	s5 =	simm.s32 @!p1 $0xD240;
	[sflag:s0] =	ssyncadd.s32 $0xFFFF9C00  }
0x72: {  	[tilespmem:s5], [sflag:$0x8] =	stream.linear.gather @!p1 [spmem:s1], $0x6400, $0x38;
	[tilespmem:$0x19A40] =	vst v63  }
0x73: {  	_ =	swait.ge [sflag:s17], $0x6400  }
0x74: {  	[sflag:s17] =	ssyncset.done $0x0  }
0x75: {  	s11 =	simm.s32 $0xB20;
	[sflag:s17] =	ssyncadd.s32 $0xFFFF9C00  }
0x76: {  	[tilespmem:s15], [sflag:$0x1] =	stream.indirect.gather.add.f32 [hbm:s3], $0x40, s11, s18, $0xb8;
	[tilespmem:$0x19A40] =	vst v63  }
0x77: {  	s13 =	simm.s32 $0xB88  }
0x78: {  	[tilespmem:s20], [sflag:$0x1] =	stream.indirect.gather.add.f32 [hbm:s3], $0x40, s13, s18, $0xb8;
	[tilespmem:$0x19A40] =	vst v63  }
0x79: {  	s14 =	simm.s32 $0xBF0  }
0x7a: {  	[tilespmem:s22], [sflag:$0x1] =	stream.indirect.gather.add.f32 [hbm:s3], $0x40, s14, s18, $0xb8;
	[tilespmem:$0x19A40] =	vst v63  }
0x7b: {  	s21 =	simm.s32 $0xC58  }
0x7c: {  	[tilespmem:s24], [sflag:$0x1] =	stream.indirect.gather.add.f32 [hbm:s3], $0x40, s21, s18, $0xb8;
	[tilespmem:$0x19A40] =	vst v63  }
0x7d: {  	_ =	swait.ge [sflag:s19], $0x1900  }
0x7e: {  	[sflag:s19] =	ssyncset.done $0x0  }
0x7f: {  	[sflag:s19] =	ssyncadd.s32 $0xFFFFE700  }
0x80: {  	_ =	swait.ge [sflag:s19], $0x1900  }
0x81: {  	[sflag:s19] =	ssyncset.done $0x0  }
0x82: {  	[sflag:s19] =	ssyncadd.s32 $0xFFFFE700  }
0x83: {  	_ =	swait.ge [sflag:s19], $0x1900  }
0x84: {  	p2 =	por $0x0, $0x0;
	[sflag:s19] =	ssyncset.done $0x0  }
0x85: {  	s6 =	simm.s32 $0x1380;
	s7 =	sadd.s32 $0x2580, s10;
	[sflag:s19] =	ssyncadd.s32 $0xFFFFE700  }
0x86: {  	s10 =	smov.u32 s12;
	s5 =	sadd.s32 $0x2580, s12;
	_ =	swait.ge [sflag:s19], $0x1900  }
0x87: {  	s11 =	simm.s32 $0x2700;
	s13 =	sadd.s32 $0x2580, s4;
	[sflag:s19] =	ssyncset.done $0x0  }
.LBB2_2:
0x88: {  	s14 =	simm.s32 @!p2 $0x6;
	[sflag:s19] =	ssyncadd.s32 $0xFFFFE700  }
0x89: {  	[hbm4b:s10+s2] =	stream.linear.scatter [tilespmem:s25], [sflag:$0x6], $0x6400, $0x38;
	[tilespmem:$0x19A40] =	vst v63  }
0x8a: {  	_ =	swait.ge @!p2 [sflag:s14], $0x6400  }
0x8b: {  	[sflag:s14] =	ssyncset.done @!p2 $0x0  }
0x8c: {  	[sflag:s14] =	ssyncadd.s32 @!p2 $0xFFFF9C00  }
0x8d: {  	[tilespmem:s25], [sflag:$0x9] =	stream.linear.gather [spmem:s1], $0x6400, $0x38;
	[tilespmem:$0x19A40] =	vst v63  }
0x8e: {  	_ =	swait.ge [sflag:s26], $0x6400  }
0x8f: {  	s14 =	sshra.s32 s6, $0x2;
	[sflag:s26] =	ssyncset.done $0x0  }
0x90: {  	s4 =	sadd.s32 $0x7E0, s14;
	[sflag:s26] =	ssyncadd.s32 $0xFFFF9C00  }
0x91: {  	[tilespmem:s16], [sflag:$0x2] =	stream.indirect.gather.add.f32 [hbm:s3], $0x40, s4, s18, $0xb8;
	[tilespmem:$0x19A40] =	vst v63  }
0x92: {  	s8 =	rddreg [dreg:$0x4];
	s4 =	sadd.s32 $0x848, s14  }
0x93: {  	[tilespmem:s8], [sflag:$0x2] =	stream.indirect.gather.add.f32 [hbm:s3], $0x40, s4, s18, $0xb8;
	[tilespmem:$0x19A40] =	vst v63  }
0x94: {  	s9 =	rddreg [dreg:$0x5];
	s4 =	sadd.s32 $0x8B0, s14  }
0x95: {  	[tilespmem:s9], [sflag:$0x2] =	stream.indirect.gather.add.f32 [hbm:s3], $0x40, s4, s18, $0xb8;
	[tilespmem:$0x19A40] =	vst v63  }
0x96: {  	s8 =	rddreg [dreg:$0x6];
	s9 =	sadd.s32 $0x918, s14  }
0x97: {  	[tilespmem:s8], [sflag:$0x2] =	stream.indirect.gather.add.f32 [hbm:s3], $0x40, s9, s18, $0xb8;
	[tilespmem:$0x19A40] =	vst v63  }
0x98: {  	_ =	swait.ge [sflag:s28], $0x1900  }
0x99: {  	[sflag:s28] =	ssyncset.done $0x0  }
0x9a: {  	[sflag:s28] =	ssyncadd.s32 $0xFFFFE700  }
0x9b: {  	_ =	swait.ge [sflag:s28], $0x1900  }
0x9c: {  	[sflag:s28] =	ssyncset.done $0x0  }
0x9d: {  	[sflag:s28] =	ssyncadd.s32 $0xFFFFE700  }
0x9e: {  	_ =	swait.ge [sflag:s28], $0x1900  }
0x9f: {  	[sflag:s28] =	ssyncset.done $0x0  }
0xa0: {  	[sflag:s28] =	ssyncadd.s32 $0xFFFFE700  }
0xa1: {  	_ =	swait.ge [sflag:s28], $0x1900  }
0xa2: {  	[sflag:s28] =	ssyncset.done $0x0  }
0xa3: {  	[sflag:s28] =	ssyncadd.s32 $0xFFFFE700  }
0xa4: {  	[hbm4b:s13+s2] =	stream.linear.scatter [tilespmem:s15], [sflag:$0x4], $0x6400, $0x38;
	[tilespmem:$0x19A40] =	vst v63  }
0xa5: {  	_ =	swait.ge [sflag:s29], $0x6400  }
0xa6: {  	[sflag:s29] =	ssyncset.done $0x0  }
0xa7: {  	[sflag:s29] =	ssyncadd.s32 $0xFFFF9C00  }
0xa8: {  	[tilespmem:s15], [sflag:$0x7] =	stream.linear.gather [spmem:s1], $0x6400, $0x38;
	[tilespmem:$0x19A40] =	vst v63  }
0xa9: {  	_ =	swait.ge [sflag:s30], $0x6400  }
0xaa: {  	[sflag:s30] =	ssyncset.done $0x0  }
0xab: {  	s9 =	sadd.s32 $0x980, s14;
	[sflag:s30] =	ssyncadd.s32 $0xFFFF9C00  }
0xac: {  	[tilespmem:s25], [sflag:$0x3] =	stream.indirect.gather.add.f32 [hbm:s3], $0x40, s9, s18, $0xb8;
	[tilespmem:$0x19A40] =	vst v63  }
0xad: {  	s4 =	sadd.s32 $0x9E8, s14;
	s8 =	rddreg [dreg:$0x7]  }
0xae: {  	[tilespmem:s8], [sflag:$0x3] =	stream.indirect.gather.add.f32 [hbm:s3], $0x40, s4, s18, $0xb8;
	[tilespmem:$0x19A40] =	vst v63  }
0xaf: {  	s9 =	rddreg [dreg:$0x8];
	s4 =	sadd.s32 $0xA50, s14  }
0xb0: {  	[tilespmem:s9], [sflag:$0x3] =	stream.indirect.gather.add.f32 [hbm:s3], $0x40, s4, s18, $0xb8;
	[tilespmem:$0x19A40] =	vst v63  }
0xb1: {  	s8 =	rddreg [dreg:$0x9];
	s9 =	sadd.s32 $0xAB8, s14  }
0xb2: {  	[tilespmem:s8], [sflag:$0x3] =	stream.indirect.gather.add.f32 [hbm:s3], $0x40, s9, s18, $0xb8;
	[tilespmem:$0x19A40] =	vst v63  }
0xb3: {  	_ =	swait.ge [sflag:s31], $0x1900  }
0xb4: {  	[sflag:s31] =	ssyncset.done $0x0  }
0xb5: {  	[sflag:s31] =	ssyncadd.s32 $0xFFFFE700  }
0xb6: {  	_ =	swait.ge [sflag:s31], $0x1900  }
0xb7: {  	[sflag:s31] =	ssyncset.done $0x0  }
0xb8: {  	[sflag:s31] =	ssyncadd.s32 $0xFFFFE700  }
0xb9: {  	_ =	swait.ge [sflag:s31], $0x1900  }
0xba: {  	[sflag:s31] =	ssyncset.done $0x0  }
0xbb: {  	[sflag:s31] =	ssyncadd.s32 $0xFFFFE700  }
0xbc: {  	_ =	swait.ge [sflag:s31], $0x1900  }
0xbd: {  	[sflag:s31] =	ssyncset.done $0x0  }
0xbe: {  	[sflag:s31] =	ssyncadd.s32 $0xFFFFE700  }
0xbf: {  	[hbm4b:s7+s2] =	stream.linear.scatter [tilespmem:s16], [sflag:$0x5], $0x6400, $0x38;
	[tilespmem:$0x19A40] =	vst v63  }
0xc0: {  	_ =	swait.ge [sflag:s0], $0x6400  }
0xc1: {  	p2 =	seq.s32 s6, $0x18600;
	[sflag:s0] =	ssyncset.done $0x0  }
0xc2: {  	s4 =	simm.s32 @!p2 $0xD240;
	[sflag:s0] =	ssyncadd.s32 $0xFFFF9C00  }
0xc3: {  	[tilespmem:s4], [sflag:$0x8] =	stream.linear.gather @!p2 [spmem:s1], $0x6400, $0x38;
	[tilespmem:$0x19A40] =	vst v63  }
0xc4: {  	_ =	swait.ge [sflag:s17], $0x6400  }
0xc5: {  	s21 =	smov.u32 s11;
	[sflag:s17] =	ssyncset.done $0x0  }
0xc6: {  	s6 =	smov.u32 s21;
	s21 =	sadd.s32 $0xB20, s14;
	[sflag:s17] =	ssyncadd.s32 $0xFFFF9C00  }
0xc7: {  	[tilespmem:s15], [sflag:$0x1] =	stream.indirect.gather.add.f32 [hbm:s3], $0x40, s21, s18, $0xb8;
	[tilespmem:$0x19A40] =	vst v63  }
0xc8: {  	s8 =	sadd.s32 $0xB88, s14  }
0xc9: {  	[tilespmem:s20], [sflag:$0x1] =	stream.indirect.gather.add.f32 [hbm:s3], $0x40, s8, s18, $0xb8;
	[tilespmem:$0x19A40] =	vst v63  }
0xca: {  	s9 =	sadd.s32 $0xBF0, s14  }
0xcb: {  	[tilespmem:s22], [sflag:$0x1] =	stream.indirect.gather.add.f32 [hbm:s3], $0x40, s9, s18, $0xb8;
	[tilespmem:$0x19A40] =	vst v63  }
0xcc: {  	s21 =	sadd.s32 $0xC58, s14  }
0xcd: {  	[tilespmem:s24], [sflag:$0x1] =	stream.indirect.gather.add.f32 [hbm:s3], $0x40, s21, s18, $0xb8;
	[tilespmem:$0x19A40] =	vst v63  }
0xce: {  	_ =	swait.ge [sflag:s19], $0x1900  }
0xcf: {  	[sflag:s19] =	ssyncset.done $0x0  }
0xd0: {  	[sflag:s19] =	ssyncadd.s32 $0xFFFFE700  }
0xd1: {  	_ =	swait.ge [sflag:s19], $0x1900  }
0xd2: {  	s11 =	sadd.s32 $0x1380, s11;
	[sflag:s19] =	ssyncset.done $0x0  }
0xd3: {  	p1 =	sne.s32 s11, $0x19980;
	[sflag:s19] =	ssyncadd.s32 $0xFFFFE700  }
.Ltmp0:
0xd4: {  	_ =	swait.ge [sflag:s19], $0x1900;
	(pc) =	sbr.rel @p1 .LBB2_2-.Ltmp0, $4  }
0xd5: {  	[sflag:s19] =	ssyncset.done $0x0  }
0xd6: {  	s10 =	smov.u32 s5;
	[sflag:s19] =	ssyncadd.s32 $0xFFFFE700  }
0xd7: {  	s5 =	sadd.s32 $0x2580, s5;
	s13 =	sadd.s32 $0x2580, s13;
	_ =	swait.ge [sflag:s19], $0x1900  }
0xd8: {  	s7 =	sadd.s32 $0x2580, s7;
	p2 =	seq.s32 s6, $0x0;
	[sflag:s19] =	ssyncset.done $0x0  }
0xd9: {  	s4 =	simm.s32 @!p2 $0x6;
	[sflag:s19] =	ssyncadd.s32 $0xFFFFE700  }
0xda: {  	[hbm4b:s10+s2] =	stream.linear.scatter [tilespmem:s25], [sflag:$0x6], $0x6400, $0x38;
	[tilespmem:$0x19A40] =	vst v63  }
0xdb: {  	_ =	swait.ge @!p2 [sflag:s4], $0x6400  }
0xdc: {  	[sflag:s4] =	ssyncset.done @!p2 $0x0  }
0xdd: {  	[sflag:s4] =	ssyncadd.s32 @!p2 $0xFFFF9C00  }
0xde: {  	[tilespmem:s25], [sflag:$0x9] =	stream.linear.gather [spmem:s1], $0x6400, $0x38;
	[tilespmem:$0x19A40] =	vst v63  }
0xdf: {  	_ =	swait.ge [sflag:s26], $0x6400  }
0xe0: {  	s10 =	sshra.s32 s6, $0x2;
	[sflag:s26] =	ssyncset.done $0x0  }
0xe1: {  	s9 =	sadd.s32 $0x7E0, s10;
	[sflag:s26] =	ssyncadd.s32 $0xFFFF9C00  }
0xe2: {  	[tilespmem:s16], [sflag:$0x2] =	stream.indirect.gather.add.f32 [hbm:s3], $0x40, s9, s18, $0xb8;
	[tilespmem:$0x19A40] =	vst v63  }
0xe3: {  	s11 =	sadd.s32 $0x848, s10;
	s8 =	rddreg [dreg:$0x4]  }
0xe4: {  	[tilespmem:s8], [sflag:$0x2] =	stream.indirect.gather.add.f32 [hbm:s3], $0x40, s11, s18, $0xb8;
	[tilespmem:$0x19A40] =	vst v63  }
0xe5: {  	s14 =	sadd.s32 $0x8B0, s10;
	s9 =	rddreg [dreg:$0x5]  }
0xe6: {  	[tilespmem:s9], [sflag:$0x2] =	stream.indirect.gather.add.f32 [hbm:s3], $0x40, s14, s18, $0xb8;
	[tilespmem:$0x19A40] =	vst v63  }
0xe7: {  	s21 =	rddreg [dreg:$0x6];
	s11 =	sadd.s32 $0x918, s10  }
0xe8: {  	[tilespmem:s21], [sflag:$0x2] =	stream.indirect.gather.add.f32 [hbm:s3], $0x40, s11, s18, $0xb8;
	[tilespmem:$0x19A40] =	vst v63  }
0xe9: {  	_ =	swait.ge [sflag:s28], $0x1900  }
0xea: {  	[sflag:s28] =	ssyncset.done $0x0  }
0xeb: {  	[sflag:s28] =	ssyncadd.s32 $0xFFFFE700  }
0xec: {  	_ =	swait.ge [sflag:s28], $0x1900  }
0xed: {  	[sflag:s28] =	ssyncset.done $0x0  }
0xee: {  	[sflag:s28] =	ssyncadd.s32 $0xFFFFE700  }
0xef: {  	_ =	swait.ge [sflag:s28], $0x1900  }
0xf0: {  	[sflag:s28] =	ssyncset.done $0x0  }
0xf1: {  	[sflag:s28] =	ssyncadd.s32 $0xFFFFE700  }
0xf2: {  	_ =	swait.ge [sflag:s28], $0x1900  }
0xf3: {  	[sflag:s28] =	ssyncset.done $0x0  }
0xf4: {  	[sflag:s28] =	ssyncadd.s32 $0xFFFFE700  }
0xf5: {  	[hbm4b:s13+s2] =	stream.linear.scatter [tilespmem:s15], [sflag:$0x4], $0x6400, $0x38;
	[tilespmem:$0x19A40] =	vst v63  }
0xf6: {  	_ =	swait.ge [sflag:s29], $0x6400  }
0xf7: {  	[sflag:s29] =	ssyncset.done $0x0  }
0xf8: {  	[sflag:s29] =	ssyncadd.s32 $0xFFFF9C00  }
0xf9: {  	[tilespmem:s15], [sflag:$0x7] =	stream.linear.gather [spmem:s1], $0x6400, $0x38;
	[tilespmem:$0x19A40] =	vst v63  }
0xfa: {  	_ =	swait.ge [sflag:s30], $0x6400  }
0xfb: {  	[sflag:s30] =	ssyncset.done $0x0  }
0xfc: {  	s14 =	sadd.s32 $0x980, s10;
	[sflag:s30] =	ssyncadd.s32 $0xFFFF9C00  }
0xfd: {  	[tilespmem:s25], [sflag:$0x3] =	stream.indirect.gather.add.f32 [hbm:s3], $0x40, s14, s18, $0xb8;
	[tilespmem:$0x19A40] =	vst v63  }
0xfe: {  	s9 =	sadd.s32 $0x9E8, s10;
	s21 =	rddreg [dreg:$0x7]  }
0xff: {  	[tilespmem:s21], [sflag:$0x3] =	stream.indirect.gather.add.f32 [hbm:s3], $0x40, s9, s18, $0xb8;
	[tilespmem:$0x19A40] =	vst v63  }
0x100: {  	s13 =	sadd.s32 $0xA50, s10;
	s11 =	rddreg [dreg:$0x8]  }
0x101: {  	[tilespmem:s11], [sflag:$0x3] =	stream.indirect.gather.add.f32 [hbm:s3], $0x40, s13, s18, $0xb8;
	[tilespmem:$0x19A40] =	vst v63  }
0x102: {  	s14 =	rddreg [dreg:$0x9];
	s21 =	sadd.s32 $0xAB8, s10  }
0x103: {  	[tilespmem:s14], [sflag:$0x3] =	stream.indirect.gather.add.f32 [hbm:s3], $0x40, s21, s18, $0xb8;
	[tilespmem:$0x19A40] =	vst v63  }
0x104: {  	_ =	swait.ge [sflag:s31], $0x1900  }
0x105: {  	[sflag:s31] =	ssyncset.done $0x0  }
0x106: {  	[sflag:s31] =	ssyncadd.s32 $0xFFFFE700  }
0x107: {  	_ =	swait.ge [sflag:s31], $0x1900  }
0x108: {  	[sflag:s31] =	ssyncset.done $0x0  }
0x109: {  	[sflag:s31] =	ssyncadd.s32 $0xFFFFE700  }
0x10a: {  	_ =	swait.ge [sflag:s31], $0x1900  }
0x10b: {  	[sflag:s31] =	ssyncset.done $0x0  }
0x10c: {  	[sflag:s31] =	ssyncadd.s32 $0xFFFFE700  }
0x10d: {  	_ =	swait.ge [sflag:s31], $0x1900  }
0x10e: {  	[sflag:s31] =	ssyncset.done $0x0  }
0x10f: {  	[sflag:s31] =	ssyncadd.s32 $0xFFFFE700  }
0x110: {  	[hbm4b:s7+s2] =	stream.linear.scatter [tilespmem:s16], [sflag:$0x5], $0x6400, $0x38;
	[tilespmem:$0x19A40] =	vst v63  }
0x111: {  	_ =	swait.ge [sflag:s0], $0x6400  }
0x112: {  	p1 =	seq.s32 s6, $0x18600;
	[sflag:s0] =	ssyncset.done $0x0  }
0x113: {  	s4 =	simm.s32 @!p1 $0xD240;
	[sflag:s0] =	ssyncadd.s32 $0xFFFF9C00  }
0x114: {  	[tilespmem:s4], [sflag:$0x8] =	stream.linear.gather @!p1 [spmem:s1], $0x6400, $0x38;
	[tilespmem:$0x19A40] =	vst v63  }
0x115: {  	_ =	swait.ge [sflag:s17], $0x6400  }
0x116: {  	[sflag:s17] =	ssyncset.done $0x0  }
0x117: {  	s7 =	sadd.s32 $0xB20, s10;
	[sflag:s17] =	ssyncadd.s32 $0xFFFF9C00  }
0x118: {  	[tilespmem:s15], [sflag:$0x1] =	stream.indirect.gather.add.f32 [hbm:s3], $0x40, s7, s18, $0xb8;
	[tilespmem:$0x19A40] =	vst v63  }
0x119: {  	s8 =	sadd.s32 $0xB88, s10  }
0x11a: {  	[tilespmem:s20], [sflag:$0x1] =	stream.indirect.gather.add.f32 [hbm:s3], $0x40, s8, s18, $0xb8;
	[tilespmem:$0x19A40] =	vst v63  }
0x11b: {  	s9 =	sadd.s32 $0xBF0, s10  }
0x11c: {  	[tilespmem:s22], [sflag:$0x1] =	stream.indirect.gather.add.f32 [hbm:s3], $0x40, s9, s18, $0xb8;
	[tilespmem:$0x19A40] =	vst v63  }
0x11d: {  	s11 =	sadd.s32 $0xC58, s10  }
0x11e: {  	[tilespmem:s24], [sflag:$0x1] =	stream.indirect.gather.add.f32 [hbm:s3], $0x40, s11, s18, $0xb8;
	[tilespmem:$0x19A40] =	vst v63  }
0x11f: {  	_ =	swait.ge [sflag:s19], $0x1900  }
0x120: {  	[sflag:s19] =	ssyncset.done $0x0  }
0x121: {  	[sflag:s19] =	ssyncadd.s32 $0xFFFFE700  }
0x122: {  	_ =	swait.ge [sflag:s19], $0x1900  }
0x123: {  	[sflag:s19] =	ssyncset.done $0x0  }
0x124: {  	[sflag:s19] =	ssyncadd.s32 $0xFFFFE700  }
0x125: {  	_ =	swait.ge [sflag:s19], $0x1900  }
0x126: {  	[sflag:s19] =	ssyncset.done $0x0  }
0x127: {  	[sflag:s19] =	ssyncadd.s32 $0xFFFFE700  }
0x128: {  	_ =	swait.ge [sflag:s19], $0x1900  }
0x129: {  	[sflag:s19] =	ssyncset.done $0x0  }
0x12a: {  	s13 =	simm.s32 $0x6;
	[sflag:s19] =	ssyncadd.s32 $0xFFFFE700  }
0x12b: {  	[hbm4b:s5+s2] =	stream.linear.scatter [tilespmem:s25], [sflag:$0x6], $0x6400, $0x38;
	[tilespmem:$0x19A40] =	vst v63  }
0x12c: {  	_ =	swait.ge [sflag:s13], $0x6400  }
0x12d: {  	[sflag:s13] =	ssyncset.done $0x0  }
0x12e: {  	[sflag:s13] =	ssyncadd.s32 $0xFFFF9C00  }
0x12f: {  	_ =	swait.ge [sflag:s28], $0x1900  }
0x130: {  	[sflag:s28] =	ssyncset.done $0x0  }
0x131: {  	[sflag:s28] =	ssyncadd.s32 $0xFFFFE700  }
0x132: {  	_ =	swait.ge [sflag:s28], $0x1900  }
0x133: {  	[sflag:s28] =	ssyncset.done $0x0  }
0x134: {  	[sflag:s28] =	ssyncadd.s32 $0xFFFFE700  }
0x135: {  	_ =	swait.ge [sflag:s28], $0x1900  }
0x136: {  	[sflag:s28] =	ssyncset.done $0x0  }
0x137: {  	[sflag:s28] =	ssyncadd.s32 $0xFFFFE700  }
0x138: {  	_ =	swait.ge [sflag:s28], $0x1900  }
0x139: {  	[sflag:s28] =	ssyncset.done $0x0  }
0x13a: {  	s14 =	rddreg [dreg:$0xc];
	[sflag:s28] =	ssyncadd.s32 $0xFFFFE700  }
0x13b: {  	[hbm4b:s14+s2] =	stream.linear.scatter [tilespmem:s15], [sflag:$0x4], $0x6400, $0x38;
	[tilespmem:$0x19A40] =	vst v63  }
0x13c: {  	_ =	swait.ge [sflag:s29], $0x6400  }
0x13d: {  	s23 =	sadd.s32 $0x1, s23;
	s21 =	rddreg [dreg:$0xd]  }
0x13e: {  	p1 =	sne.s32 s23, s21  }
.Ltmp1:
0x13f: {  	_ = 	snop;
	(pc) =	sbr.rel @p1 .LBB2_1-.Ltmp1, $3  }
0x140: {  	_ =	sdelay $0x1  }
0x141: {  	[sflag:s29] =	ssyncset.done $0x0  }
0x142: {  	[sflag:s29] =	ssyncadd.s32 $0xFFFF9C00  }
0x143: {  	_ =	sfence.sel $0x180000  }
0x144: {  	[bflag:$0x0] =	sbarrier.arrive $0xFFFF  }
0x145: {  	_ =	strace $0x90000047  }
0x146: {  	[bflag:$0x2] =	sbarrier.arrive $0xFFFF  }
0x147: {  	s0 =	rddreg [dreg:$0x3]  }
0x148: {  	s0 =	sadd.s32 @!p0 $0x100000, s0  }
0x149: {  	[sflag:s0] =	ssyncadd.tile.s32 @!p0 $0x1;
	_ =	shalt  }
.Lfunc_end2:
_tile_overlayer_lowered:
.L_overlay_start_2:
0x14a: {  	(tag) =	ssettag $0x2  }
0x14b: {  	s0 =	rddreg [dreg:$0x0];
	s2 =	stileid.u32  }
0x14c: {  	s1 =	rddreg [dreg:$0x1];
	p0 =	sne.s32 s2, $0x0  }
0x14d: {  	s3 =	rddreg [dreg:$0x2];
	[bflag:$0x3] =	sbarrier.arrive $0xFFFF;
	s2 =	simm.s32 @!p0 $0x1C0A  }
0x14e: {  	[timem:s3], [sflag:s2] =	dma.local @!p0 [hbm:s0], s1  }
0x14f: {  	s0 =	simm.s32 @!p0 $0xA  }
0x150: {  	_ =	swait.ge @!p0 [sflag:s0], s1  }
0x151: {  	s1 =	ssub.s32 @!p0 $0x0, s1;
	[sflag:s0] =	ssyncset.done @!p0 $0x0  }
0x152: {  	[sflag:s0] =	ssyncadd.s32 @!p0 s1  }
0x153: {  	[bflag:$0x3] =	sbarrier.arrive $0xFFFF  }
0x154: {  	_ =	shalt  }

// kernel: sparse-core-data-format-call.cloned.1.call-start
scs
called_computation_lowered:
.L_overlay_start_0:
0x0: {  	s2 =	sld [smem:$0x3FD9]  }
0x1: {  	s3 =	sld [smem:$0x3FFE];
	_ =	sdelay $0x1  }
0x2: {  	s1 =	srdreg.scid  }
0x3: {  	s0 =	sand.u32 $0x1, s1  }
0x4: {  	s18 =	sshll.u32 s0, $0xA;
	s2 =	sadd.s32 s3, s2  }
0x5: {  	s2 =	sadd.s32 s2, s18  }
0x6: {  	[smem:$0x3FC5] =	sst s2  }
0x7: {  	_ = 	snop  }
0x8: {  	s2 =	sld [smem:$0x3FD0];
	(tm) =	ssettm $0x1  }
0x9: {  	s19 =	sld [smem:$0x3FFB];
	_ =	sdelay $0x3  }
0xa: {  	_ =	strace s19  }
0xb: {  	s3 =	sld [smem:$0x3FFC];
	_ =	sdelay $0x3  }
0xc: {  	_ =	strace s3  }
0xd: {  	s3 =	sld [smem:$0x3FFD];
	_ =	sdelay $0x3  }
0xe: {  	_ =	strace s3  }
0xf: {  	_ =	strace $0x8FFFFFFF  }
0x10: {  	s20 =	sld [smem:$0x3FDB];
	_ =	sdelay $0x1  }
0x11: {  	s4 =	simm.s32 $_scs_section_size  }
0x12: {  	s5 =	simm.s32 $_size__tile_overlayer_lowered;
	s6 =	simm.s32 $_tile_overlayer_lowered  }
0x13: {  	s23 =	simm.s32 $0x1BFF;
	s22 =	sshll.u32 s6, $0x1;
	s3 =	sadd.s32 s4, s20  }
0x14: {  	s7 =	simm.s32 $0x0;
	s21 =	sshll.u32 s5, $0x1;
	s5 =	sadd.s32 s22, s3  }
0x15: {  	[timem:s7], [sflag:s23] =	dma.local [hbm:s5], s21  }
0x16: {  	_ =	swait.ge [sflag:s23], s21  }
0x17: {  	s4 =	ssub.s32 $0x0, s21;
	[sflag:s23] =	ssyncset.done $0x0  }
0x18: {  	[sflag:s23] =	ssyncadd.s32 s4;
	_ =	sdelay $0x1  }
0x19: {  	s24 =	simm.s32 $0x1B8B  }
0x1a: {  	_ =	swait.ge [sflag:s24], $0x1  }
0x1b: {  	[sflag:s24] =	ssyncset.done $0x0  }
0x1c: {  	s26 =	simm.s32 $0x1B8E;
	s25 =	sld [smem:$0x3FFE];
	[sflag:s24] =	ssyncadd.s32 $0xFFFFFFFF  }
0x1d: {  	s27 =	simm.s32 $execute0_lowered;
	[smem:$0x3FD2] =	sst s26  }
0x1e: {  	s5 =	sshll.u32 s27, $0x1;
	_ =	strace $0x80000049;
	[dreg:$0x1] =	wrdreg $0xFFFFFFFF  }
0x1f: {  	s28 =	simm.s32 $_size_execute0_lowered;
	s3 =	sadd.s32 s3, s5;
	[dreg:$0x0] =	wrdreg $0x0  }
0x20: {  	s5 =	sshll.u32 s28, $0x1;
	[dreg:$0x2] =	wrdreg s3  }
0x21: {  	[dreg:$0x3] =	wrdreg s5  }
0x22: {  	[dreg:$0x4] =	wrdreg $0xC0  }
0x23: {  	_ =	task [dreg:s7], $0x5FFFF  }
0x24: {  	[dreg:$0x1] =	wrdreg $0xFFFFFFFF  }
0x25: {  	[dreg:$0x0] =	wrdreg $0x60  }
0x26: {  	[dreg:$0x2] =	wrdreg s25  }
0x27: {  	[dreg:$0x3] =	wrdreg s2  }
0x28: {  	[dreg:$0x4] =	wrdreg $0x9  }
0x29: {  	_ =	task.clear_ibuf [dreg:s7], $0x5FFFF;
	_ =	strace $0x90000049  }
0x2a: {  	s29 =	simm.s32 $0x9;
	_ =	strace $0x8000004B  }
0x2b: {  	_ =	swait.ge [sflag:s29], $0x1  }
0x2c: {  	[sflag:s29] =	ssyncadd.s32 $0xFFFFFFFF  }
0x2d: {  	_ =	strace $0x9000004B  }
0x2e: {  	_ =	sfence  }
0x2f: {  	s30 =	sld [smem:$0x0];
	_ =	sdelay $0x2  }
0x30: {  	s31 =	sshll.u32 s1, $0xD;
	s1 =	sshrl.u32 s1, $0x2  }
0x31: {  	s3 =	sand.u32 $0x4000, s31;
	s1 =	sadd.s32 s1, s30  }
0x32: {  	s0 =	sor.u32 s3, s0;
	s1 =	sshll.u32 s1, $0x11  }
0x33: {  	s0 =	sor.u32 s1, s0  }
0x34: {  	s0 =	sadd.s32 $0x8F2B, s0  }
0x35: {  	[sflag:s0] =	ssyncadd.remote.s32 $0x1  }
0x36: {  	_ =	sfence.sel $0xFFFF  }
0x37: {  	[dreg:$0x0] =	wrdreg $0xFFFFFFFF;
	(pc) =	sbr.abs _section_cstart, $3  }
0x38: {  	[dreg:$0x1] =	wrdreg $0xFFFFFFFF  }
0x39: {  	_ =	task.clear_ibuf [dreg:s7], $0x2FFFF;
	_ =	strace $0x9FFFFFFF  }
0x3a: {  	(tm) =	ssettm $0x7FFFFFFF  }
0x3b: {  	_ =	shalt  }
tec
execute0_lowered:
.L_overlay_start_1:
0x0: {  	(tag) =	ssettag $0x1  }
0x1: {  	s0 =	srdreg.scid  }
0x2: {  	s1 =	sshll.u32 s0, $0x4  }
0x3: {  	s0 =	stileid.u32;
	s1 =	sand.u32 $0x10, s1  }
0x4: {  	s1 =	sor.u32 s0, s1  }
0x5: {  	s6 =	rddreg [dreg:$0x0];
	s4 =	simm.s32 $0x1;
	s2 =	sshll.u32 s1, $0x7  }
0x6: {  	s7 =	simm.s32 $0x2;
	s12 =	simm.s32 $0x0;
	s1 =	ssub.s32 $0x1000, s2  }
0x7: {  	s8 =	simm.s32 $0x8000;
	s13 =	simm.s32 $0x0;
	s3 =	sand.u32 $0xF80, s1  }
0x8: {  	s9 =	simm.s32 $0x0;
	s5 =	sshrl.u32 s1, $0xC;
	p0 =	sne.s32 s3, $0x0  }
.Ltmp0:
0x9: {  	s1 =	rddreg [dreg:$0x2];
	s4 =	simm.s32 @!p0 $0x0;
	(pc) =	sbr.rel .LBB1_1-.Ltmp0, $4  }
0xa: {  	s11 =	simm.s32 $0x0;
	s3 =	rddreg [dreg:$0x1];
	s5 =	sadd.s32 s4, s5  }
0xb: {  	_ =	strace $0x8000004A;
	s4 =	simm.s32 $0x1;
	s5 =	smul.u32 $0xC8, s5  }
0xc: {  	s6 =	sadd.s32 $0xA00, s6;
	s10 =	smov.u32 s2;
	[sflag:s4] =	ssyncpa.u1 $0x0  }
0xd: {  	p0 =	por $0x0, $0x0;
	[sflag:s7] =	ssyncpa.u1 $0x0;
	s7 =	sor.u32 $0x1, s5  }
.LBB1_4:
0xe: {  	s16 =	sshll.u32 s13, $0x3;
	s17 =	sand.u32 $0x78, s13  }
0xf: {  	s30 =	sand.u32 $0x7E00, s13;
	s12 =	sshll.u32 s12, $0xF;
	s16 =	sand.u32 $0xC00, s16  }
0x10: {  	[tilespmem:s15+$0x810 ss:$0x81] =	vst.msk $0xffff, v2;
	s31 =	sand.u32 $0x7, s13;
	s16 =	sor.u32 s17, s16;
	s17 =	sadd.s32 s3, s30  }
0x11: {  	[tilespmem:s15+$0x1020 ss:$0x81] =	vst.msk $0xffff, v0;
	s13 =	sshll.u32 s31, $0x12;
	s12 =	sadd.s32 s12, s17;
	s16 =	sshrl.u32 s16, $0x3  }
0x12: {  	[tilespmem:s15+$0x0 ss:$0x81] =	vst.msk $0xffff, v1;
	s13 =	sor.u32 $0x400, s13;
	s12 =	sadd.s32 s16, s12  }
0x13: {  	[hbm4b:s12+s13] =	stream.strided.scatter [tilespmem:s14], [sflag:$0x2], $0x2000, s8, s13, $0x20;
	[tilespmem:$0x8080] =	vst v63  }
.LBB1_5:
0x14: {  	s14 =	sadd.s32 $0x1, s9  }
0x15: {  	s12 =	sadd.s32 $0x1000, s10;
	s16 =	smov.u32 s10;
	p2 =	sgt.s32 s14, $0xC7  }
0x16: {  	s16 =	smov.u32 @p2 s12  }
0x17: {  	s14 =	simm.s32 @p2 $0x0;
	p2 =	sgt.s32 s16, $0xFFF  }
0x18: {  	s16 =	smov.u32 @p2 s2;
	p2 =	sne.s32 s11, s7  }
.Ltmp1:
0x19: {  	p1 =	slt.u32 s11, $0x2;
	(pc) =	sbr.rel @!p2 .LBB1_6-.Ltmp1, $4  }
0x1a: {  	s15 =	simm.s32 @!p1 $0x2  }
0x1b: {  	s13 =	smov.u32 s10;
	p0 =	por !p0, !p0;
	_ =	swait.ge @!p1 [sflag:s15], $0x2000  }
0x1c: {  	s12 =	smov.u32 s9;
	[sflag:s15] =	ssyncset.done @!p1 $0x0;
	s9 =	smov.u32 s14  }
0x1d: {  	s11 =	sadd.s32 $0x1, s11;
	[sflag:s15] =	ssyncadd.s32 @!p1 $0xFFFFE000;
	s10 =	smov.u32 s16  }
.LBB1_1:
0x1e: {  	p1 =	sge.u32 s11, s5  }
0x1f: {  	s14 =	sand.u32 @!p1 $0x1FFFFFF, s9  }
0x20: {  	s15 =	smulhi.u32 @!p1 $0x147AE15, s14;
	_ =	sdelay $0x1  }
0x21: {  	s15 =	smul.u32 @!p1 $0xC8, s15  }
0x22: {  	s16 =	sxor.u32 @!p1 $0xFFFFFFFF, s11;
	s17 =	smul.u32 @!p1 $0xC80, s10  }
0x23: {  	s31 =	sadd.s32 $0xFFFFFFFF, s11;
	s16 =	sshll.u32 @!p1 s16, $0xD;
	s14 =	ssub.s32 @!p1 s14, s15  }
0x24: {  	s15 =	sand.u32 @!p1 $0x2000, s16;
	s16 =	sadd.s32 @!p1 s6, s17;
	s14 =	sshll.u32 @!p1 s14, $0x4  }
0x25: {  	s17 =	simm.s32 @!p1 $0x6400;
	s14 =	sadd.s32 @!p1 s14, s16;
	s16 =	simm.s32 @!p1 $0x40  }
0x26: {  	[tilespmem:s15], [sflag:$0x1] =	stream.strided.gather @!p1 [hbm4b:s14+s16], $0x2000, s17, s16, $0x38;
	[tilespmem:$0x8080] =	vst v63  }
0x27: {  	p1 =	sge.u32 s31, s5  }
.Ltmp2:
0x28: {  	_ = 	snop;
	(pc) =	sbr.rel @p1 .LBB1_5-.Ltmp2, $1  }
0x29: {  	_ =	sdelay $0x3  }
0x2a: {  	s14 =	simm.s32 $0x1  }
0x2b: {  	_ =	swait.ge [sflag:s4], $0x2000;
	s14 =	simm.s32 @!p0 $0x0  }
0x2c: {  	[sflag:s4] =	ssyncset.done $0x0;
	s15 =	sshll.u32 s14, $0xD  }
0x2d: {  	[sflag:s4] =	ssyncadd.s32 $0xFFFFE000;
	s18 =	sor.u32 $0x20, s15  }
0x2e: {  	s14 =	smul.u32 $0x8100, s14;
	v3 =	vld [tilespmem:s18+$0x10]  }
0x2f: {  	s30 =	sand.u32 $0x1, s11;
	v2 =	vld [tilespmem:s18+$0xFFFFFFF0]  }
0x30: {  	s15 =	smul.u32 $0x8100, s30;
	s14 =	sshrl.u32 s14, $0x2;
	v0 =	vld [tilespmem:s18+$0x0]  }
0x31: {  	v1 =	vld [tilespmem:s18+$0xFFFFFFE0];
	s16 =	sor.u32 $0x4000, s14  }
0x32: {  	s31 =	sshrl.u32 s15, $0x2;
	s15 =	sadd.s32 $0x0, s16  }
0x33: {  	s17 =	simm.s32 $0x4;
	s18 =	sadd.s32 $0x40, s18;
	s14 =	sor.u32 $0x4000, s31;
	[tilespmem:s15+$0x1830 ss:$0x81] =	vst.msk $0xffff, v3  }
.LBB1_3:
0x34: {  	v3 =	vld [tilespmem:s18+$0x10];
	p1 =	sne.s32 s17, $0x1FC;
	[tilespmem:s15+$0x810 ss:$0x81] =	vst.msk $0xffff, v2;
	s19 =	smov.u32 s17;
	s17 =	sadd.s32 $0x4, s17  }
.Ltmp3:
0x35: {  	v2 =	vld [tilespmem:s18+$0xFFFFFFF0];
	[tilespmem:s15+$0x1020 ss:$0x81] =	vst.msk $0xffff, v0;
	(pc) =	sbr.rel @p1 .LBB1_3-.Ltmp3, $4  }
0x36: {  	v0 =	vld [tilespmem:s18+$0x0];
	[tilespmem:s15+$0x0 ss:$0x81] =	vst.msk $0xffff, v1  }
0x37: {  	s15 =	sshra.s32 s19, $0x2;
	v1 =	vld [tilespmem:s18+$0xFFFFFFE0]  }
0x38: {  	s15 =	sadd.s32 s15, s16  }
0x39: {  	s18 =	sadd.s32 $0x40, s18;
	[tilespmem:s15+$0x1830 ss:$0x81] =	vst.msk $0xffff, v3  }
.Ltmp4:
0x3a: {  	_ = 	snop;
	(pc) =	sbr.rel .LBB1_4-.Ltmp4, $1  }
0x3b: {  	_ =	sdelay $0x3  }
.LBB1_6:
0x3c: {  	_ =	sfence.sel $0x180000  }
0x3d: {  	s2 =	simm.s32 $0x1;
	[bflag:$0x0] =	sbarrier.arrive $0xFFFF  }
0x3e: {  	s31 =	simm.s32 $0x2;
	[sflag:s2] =	ssyncpa.u1 $0x1  }
0x3f: {  	[sflag:s31] =	ssyncpa.u1 $0x1  }
0x40: {  	p0 =	sne.s32 s0, $0x0;
	_ =	strace $0x9000004A  }
0x41: {  	s0 =	sadd.s32 @!p0 $0x100000, s1;
	[bflag:$0x2] =	sbarrier.arrive $0xFFFF  }
0x42: {  	[sflag:s0] =	ssyncadd.tile.s32 @!p0 $0x1;
	_ =	shalt  }
.Lfunc_end1:
_tile_overlayer_lowered:
.L_overlay_start_2:
0x43: {  	(tag) =	ssettag $0x2  }
0x44: {  	s0 =	rddreg [dreg:$0x0];
	s2 =	stileid.u32  }
0x45: {  	s1 =	rddreg [dreg:$0x1];
	p0 =	sne.s32 s2, $0x0  }
0x46: {  	s3 =	rddreg [dreg:$0x2];
	[bflag:$0x3] =	sbarrier.arrive $0xFFFF;
	s2 =	simm.s32 @!p0 $0x1C01  }
0x47: {  	[timem:s3], [sflag:s2] =	dma.local @!p0 [hbm:s0], s1  }
0x48: {  	s0 =	simm.s32 @!p0 $0x1  }
0x49: {  	_ =	swait.ge @!p0 [sflag:s0], s1  }
0x4a: {  	s1 =	ssub.s32 @!p0 $0x0, s1;
	[sflag:s0] =	ssyncset.done @!p0 $0x0  }
0x4b: {  	[sflag:s0] =	ssyncadd.s32 @!p0 s1  }
0x4c: {  	[bflag:$0x3] =	sbarrier.arrive $0xFFFF  }
0x4d: {  	_ =	shalt  }

</sc_bundles>
